<compile_context>
chip_gen: v7x
topology: tpu7x:2x2x1
jax: 0.10.2.dev20260603
libtpu: 0.0.44.dev20260713+nightly
codegen_flags: <defaults>
</compile_context>

<pallas_src>
import functools

import jax
import jax.numpy as jnp
from jax import lax
from jax.experimental import pallas as pl
from jax.experimental.pallas import tpu as pltpu
from jax.experimental.pallas import tpu_sc as plsc

N = 10000
E = 320000
H = 128
G = 512
NLAYERS = 3

NC = 2
NS = 16
CHUNK = 64
NWORK = NC * NS
CPW = 160
NBUF = 2
EP = NWORK * CPW * CHUNK
NPAD = 10112
ROWS_PT = NPAD // NS
OUT_MAIN = 632
OUT_TAIL = N - (NS - 1) * OUT_MAIN

_MESH = plsc.VectorSubcoreMesh(
    core_axis_name="c", subcore_axis_name="s", num_cores=NC, num_subcores=NS
)



@functools.partial(
    pl.kernel,
    out_type=jax.ShapeDtypeStruct((NC, N, H), jnp.float32),
    mesh=_MESH,
    scratch_types=[
        pltpu.VMEM_SHARED((NPAD, H), jnp.float32),
        pltpu.VMEM((CPW, CHUNK), jnp.int32),
        pltpu.VMEM((CHUNK, H), jnp.float32),
    ],
)
def _deg_kernel(dstm_hbm, zeros_hbm, ones_hbm, out_hbm, deg_sh, dstv, ones_v):
    c = lax.axis_index("c")
    t = lax.axis_index("s")
    w = c * NS + t
    pltpu.sync_copy(dstm_hbm.at[pl.ds(w * CPW, CPW)], dstv)
    pltpu.sync_copy(ones_hbm, ones_v)
    pltpu.sync_copy(
        zeros_hbm.at[pl.ds(t * ROWS_PT, ROWS_PT)],
        deg_sh.at[pl.ds(t * ROWS_PT, ROWS_PT)],
    )
    plsc.subcore_barrier()

    def body(j, carry):
        pltpu.sync_copy(ones_v, deg_sh.at[dstv.at[j]], add=True)
        return carry

    lax.fori_loop(0, CPW, body, 0)
    plsc.subcore_barrier()

    @pl.when(t < NS - 1)
    def _copy_main():
        pltpu.sync_copy(
            deg_sh.at[pl.ds(t * OUT_MAIN, OUT_MAIN)],
            out_hbm.at[c, pl.ds(t * OUT_MAIN, OUT_MAIN)],
        )

    @pl.when(t == NS - 1)
    def _copy_tail():
        pltpu.sync_copy(
            deg_sh.at[pl.ds((NS - 1) * OUT_MAIN, OUT_TAIL)],
            out_hbm.at[c, pl.ds((NS - 1) * OUT_MAIN, OUT_TAIL)],
        )


@functools.partial(
    pl.kernel,
    out_type=jax.ShapeDtypeStruct((NC, N, H), jnp.float32),
    mesh=_MESH,
    scratch_types=[
        pltpu.VMEM_SHARED((NPAD, H), jnp.float32),
        pltpu.VMEM((CPW * CHUNK,), jnp.int32),
        pltpu.VMEM((CPW, CHUNK), jnp.int32),
        pltpu.VMEM((CHUNK, H), jnp.float32),
        pltpu.VMEM((CHUNK, H), jnp.float32),
        pltpu.SemaphoreType.DMA,
        pltpu.SemaphoreType.DMA,
    ],
)
def _mp_kernel(hp_hbm, srcf_hbm, dstm_hbm, zeros_hbm, out_hbm,
               acc_sh, srcv, dstv, rows0, rows1, semA, semB):
    c = lax.axis_index("c")
    t = lax.axis_index("s")
    w = c * NS + t
    epw = CPW * CHUNK
    pltpu.sync_copy(srcf_hbm.at[pl.ds(w * epw, epw)], srcv)
    pltpu.sync_copy(dstm_hbm.at[pl.ds(w * CPW, CPW)], dstv)
    pltpu.sync_copy(
        zeros_hbm.at[pl.ds(t * ROWS_PT, ROWS_PT)],
        acc_sh.at[pl.ds(t * ROWS_PT, ROWS_PT)],
    )
    plsc.subcore_barrier()

    bufs = (rows0, rows1)
    sems = (semA, semB)

    def sidx(j):
        return srcv.at[pl.ds(pl.multiple_of(j * CHUNK, CHUNK), CHUNK)]

    for b in range(NBUF):
        pltpu.async_copy(hp_hbm.at[sidx(b)], bufs[b], sems[b])

    def body(k, carry):
        for b in range(NBUF):
            j = k * NBUF + b
            pltpu.make_async_copy(hp_hbm.at[sidx(j)], bufs[b], sems[b]).wait()
            pltpu.sync_copy(bufs[b], acc_sh.at[dstv.at[j]], add=True)

            @pl.when(j + NBUF < CPW)
            def _(b=b, j=j):
                pltpu.async_copy(hp_hbm.at[sidx(j + NBUF)], bufs[b], sems[b])

        return carry

    lax.fori_loop(0, CPW // NBUF, body, 0)
    plsc.subcore_barrier()

    @pl.when(t < NS - 1)
    def _copy_main():
        pltpu.sync_copy(
            acc_sh.at[pl.ds(t * OUT_MAIN, OUT_MAIN)],
            out_hbm.at[c, pl.ds(t * OUT_MAIN, OUT_MAIN)],
        )

    @pl.when(t == NS - 1)
    def _copy_tail():
        pltpu.sync_copy(
            acc_sh.at[pl.ds((NS - 1) * OUT_MAIN, OUT_TAIL)],
            out_hbm.at[c, pl.ds((NS - 1) * OUT_MAIN, OUT_TAIL)],
        )



def _embed_body(tok_ref, emb_ref, w_ref, degp_ref, hp_ref, dinv_ref):
    tok = tok_ref[...]
    oh = (tok == lax.broadcasted_iota(jnp.int32, (N, 16), 1)).astype(jnp.float32)
    ew = jnp.dot(emb_ref[...], w_ref[...], preferred_element_type=jnp.float32)
    x0w = jnp.dot(oh, ew, preferred_element_type=jnp.float32)
    degp = degp_ref[...]
    deg = degp[0, :, 0:1] + degp[1, :, 0:1] + 1.0
    dinv = lax.rsqrt(deg)
    dinv_ref[...] = jnp.broadcast_to(dinv, (N, 8))
    hp_ref[...] = x0w * dinv


def _mid_body(accp_ref, hp_ref, dinv_ref, b_ref, g_ref, be_ref, w_ref, out_ref):
    acc = accp_ref[0] + accp_ref[1]
    hp = hp_ref[...]
    dinv = dinv_ref[:, 0:1]
    agg = dinv * (acc + hp) + b_ref[...]
    m = jnp.mean(agg, axis=0, keepdims=True)
    xc = agg - m
    v = jnp.mean(xc * xc, axis=0, keepdims=True)
    xn = xc * lax.rsqrt(v + 1e-5)
    x = jnp.maximum(g_ref[...] * xn + be_ref[...], 0.0)
    out_ref[...] = jnp.dot(x, w_ref[...], preferred_element_type=jnp.float32) * dinv


def _final_body(accp_ref, hp_ref, dinv_ref, b_ref, g_ref, be_ref,
                br_ref, wp_ref, bp_ref, out_ref):
    acc = accp_ref[0] + accp_ref[1]
    hp = hp_ref[...]
    dinv = dinv_ref[:, 0:1]
    agg = dinv * (acc + hp) + b_ref[...]
    m = jnp.mean(agg, axis=0, keepdims=True)
    xc = agg - m
    v = jnp.mean(xc * xc, axis=0, keepdims=True)
    xn = xc * lax.rsqrt(v + 1e-5)
    x = jnp.maximum(g_ref[...] * xn + be_ref[...], 0.0)

    nchunk = 2000
    pooled = jnp.zeros((G, H), jnp.float32)
    cnt = jnp.zeros((G, 1), jnp.float32)
    giota = lax.broadcasted_iota(jnp.int32, (G, nchunk), 0)
    for kc in range(N // nchunk):
        bid = br_ref[0:1, kc * nchunk:(kc + 1) * nchunk]
        ohT = (giota == bid).astype(jnp.float32)
        pooled = pooled + jnp.dot(
            ohT, x[kc * nchunk:(kc + 1) * nchunk],
            preferred_element_type=jnp.float32)
        cnt = cnt + jnp.sum(ohT, axis=1, keepdims=True)
    pooled = pooled / jnp.maximum(cnt, 1.0)
    out_ref[...] = (
        jnp.dot(pooled, wp_ref[...], preferred_element_type=jnp.float32)
        + bp_ref[...]
    )


def _tc(body, out_shape, *args):
    return pl.pallas_call(body, out_shape=out_shape)(*args)



def kernel(node_tokens, edge_index, batch_ids, emb, Ws, bs, gammas, betas, Wp, bp):
    src = edge_index[0].astype(jnp.int32)
    dst = edge_index[1].astype(jnp.int32)
    pad = EP - E
    srcf = jnp.concatenate([src, jnp.zeros((pad,), jnp.int32)])
    dstm = jnp.concatenate([dst, jnp.full((pad,), N, jnp.int32)]).reshape(EP // CHUNK, CHUNK)

    zerosH = jnp.zeros((NPAD, H), jnp.float32)
    onesH = jnp.ones((CHUNK, H), jnp.float32)

    degp = _deg_kernel(dstm, zerosH, onesH)

    tok2 = node_tokens.astype(jnp.int32).reshape(N, 1)
    embp = jnp.pad(emb, ((0, 16 - emb.shape[0]), (0, 0)))

    hp, dinv8 = _tc(_embed_body,
                    (jax.ShapeDtypeStruct((N, H), jnp.float32),
                     jax.ShapeDtypeStruct((N, 8), jnp.float32)),
                    tok2, embp, Ws[0], degp)

    for l in range(NLAYERS - 1):
        accp = _mp_kernel(hp, srcf, dstm, zerosH)
        hp = _tc(_mid_body, jax.ShapeDtypeStruct((N, H), jnp.float32),
                 accp, hp, dinv8,
                 bs[l].reshape(1, H), gammas[l].reshape(1, H),
                 betas[l].reshape(1, H), Ws[l + 1])

    accp = _mp_kernel(hp, srcf, dstm, zerosH)
    batch_row = batch_ids.astype(jnp.int32).reshape(1, N)
    l = NLAYERS - 1
    out = _tc(_final_body, jax.ShapeDtypeStruct((G, H), jnp.float32),
              accp, hp, dinv8,
              bs[l].reshape(1, H), gammas[l].reshape(1, H),
              betas[l].reshape(1, H), batch_row, Wp, bp.reshape(1, H))
    return out

# --- scband reference (transcript-rebuilt; emitter-appended) ---
"""Pipeline reference for scband-glycan-gnnencoder-8942121910543 (READ-ONLY COPY).

The authoritative reference and input builder live on the scoring server;
editing this copy changes nothing except your own understanding.
"""

import jax, jax.numpy as jnp
import numpy as np

N_NODES = 10000
N_EDGES = 320000
HIDDEN = 128
EMB_OUT = 128
VOCAB = 14
NUM_LAYERS = 3
NUM_GRAPHS = 512


def setup_inputs(seed: int = 0) -> dict:
    key = jax.random.key(seed)
    ks = jax.random.split(key, 8)
    node_tokens = jax.random.randint(ks[0], (N_NODES,), 0, VOCAB)
    edge_index = jax.random.randint(ks[1], (2, N_EDGES), 0, N_NODES)
    batch_ids = jnp.sort(jax.random.randint(ks[2], (N_NODES,), 0, NUM_GRAPHS))
    emb = jax.random.normal(ks[3], (VOCAB, HIDDEN), dtype=jnp.float32) * 0.02
    Ws = jax.random.normal(ks[4], (NUM_LAYERS, HIDDEN, HIDDEN), dtype=jnp.float32) * 0.05
    bs = jnp.zeros((NUM_LAYERS, HIDDEN), dtype=jnp.float32)
    gammas = jnp.ones((NUM_LAYERS, HIDDEN), dtype=jnp.float32)
    betas = jnp.zeros((NUM_LAYERS, HIDDEN), dtype=jnp.float32)
    Wp = jax.random.normal(ks[5], (HIDDEN, EMB_OUT), dtype=jnp.float32) * 0.05
    bp = jnp.zeros((EMB_OUT,), dtype=jnp.float32)
    return {
        "node_tokens": node_tokens,
        "edge_index": edge_index,
        "batch_ids": batch_ids,
        "emb": emb,
        "Ws": Ws,
        "bs": bs,
        "gammas": gammas,
        "betas": betas,
        "Wp": Wp,
        "bp": bp,
    }


def reference(node_tokens, edge_index, batch_ids, emb, Ws, bs, gammas, betas, Wp, bp):
    N = node_tokens.shape[0]
    src = edge_index[0]
    dst = edge_index[1]
    # GCN symmetric normalization with self-loops (deg from A + I)
    deg = jnp.zeros((N,), jnp.float32).at[dst].add(1.0) + 1.0
    dinv_sqrt = jax.lax.rsqrt(deg)
    norm = dinv_sqrt[src] * dinv_sqrt[dst]
    self_norm = (1.0 / deg)[:, None]

    x = emb[node_tokens]  # embedding lookup (gather)
    for l in range(NUM_LAYERS):
        h = x @ Ws[l]
        # message passing: gather src features, scatter-add into dst
        agg = jnp.zeros_like(h).at[dst].add(norm[:, None] * h[src])
        agg = agg + h * self_norm + bs[l]
        # BatchNorm1d (batch statistics, deterministic)
        mean = agg.mean(axis=0)
        var = agg.var(axis=0)
        xn = (agg - mean) * jax.lax.rsqrt(var + 1e-5)
        x = jax.nn.relu(gammas[l] * xn + betas[l])
        # dropout is identity in eval mode

    # global mean pool per graph (segment reduce)
    sums = jax.ops.segment_sum(x, batch_ids, num_segments=NUM_GRAPHS)
    cnts = jax.ops.segment_sum(jnp.ones((N,), jnp.float32), batch_ids, num_segments=NUM_GRAPHS)
    pooled = sums / jnp.clip(cnts, 1.0)[:, None]
    return pooled @ Wp + bp

if __name__ == "__main__":
    import jax
    _d = setup_inputs()
    print(jax.jit(kernel)(*tuple(_d.values())))

</pallas_src>

<mosaic_0001>
#map = affine_map<(d0, d1) -> (0, 0)>
#map1 = affine_map<(d0, d1) -> (0)>
#map2 = affine_map<(d0, d1) -> (0, 0, 0)>
module attributes {stable_mosaic.version = 14 : i64} {
  func.func @_mp_kernel(%arg0: i32, %arg1: i32, %arg2: memref<10000x128xf32, #tpu.memory_space<hbm>>, %arg3: memref<327680xi32, #tpu.memory_space<hbm>>, %arg4: memref<5120x64xi32, #tpu.memory_space<hbm>>, %arg5: memref<10112x128xf32, #tpu.memory_space<hbm>>, %arg6: memref<2x10000x128xf32, #tpu.memory_space<hbm>>, %arg7: memref<10112x128xf32, #tpu.memory_space<vmem_shared>>, %arg8: memref<10240xi32, #tpu.memory_space<vmem>>, %arg9: memref<160x64xi32, #tpu.memory_space<vmem>>, %arg10: memref<64x128xf32, #tpu.memory_space<vmem>>, %arg11: memref<64x128xf32, #tpu.memory_space<vmem>>, %arg12: memref<!tpu.dma_semaphore, #tpu.memory_space<semaphore_mem>>, %arg13: memref<!tpu.dma_semaphore, #tpu.memory_space<semaphore_mem>>) attributes {dimension_semantics = [#tpu.dimension_semantics<core_parallel>, #tpu.dimension_semantics<subcore_parallel>], iteration_bounds = array<i64: 2, 16>, scalar_prefetch = 0 : i64, scratch_operands = 7 : i64, tpu.core_type = #tpu.core_type<sc_vector_subcore>, window_params = [{transform_indices = #map}, {transform_indices = #map1}, {transform_indices = #map}, {transform_indices = #map}, {transform_indices = #map2}]} {
    %mul3A = arith.constant 16 : i32
    %mul3A_0 = arith.muli %arg0, %mul3A : i32
    %add3A = arith.addi %mul3A_0, %arg1 : i32
    %mul3A_1 = arith.constant 10240 : i32
    %mul3A_2 = arith.muli %add3A, %mul3A_1 : i32
    "tpu.region"() ({
      %run_scoped3A = tpu.sem_alloc : memref<!tpu.dma_semaphore, #tpu.memory_space<semaphore_mem>>
      %dma_start3A_31 = tpu.memref_slice %arg3[%mul3A_2] : memref<327680xi32, #tpu.memory_space<hbm>> -> memref<10240xi32, #tpu.memory_space<hbm>>
      %dma_start3A_32 = tpu.memref_slice %arg3[%mul3A_2] : memref<327680xi32, #tpu.memory_space<hbm>> -> memref<10240xi32, #tpu.memory_space<hbm>>
      tpu.enqueue_dma source(%dma_start3A_32 : memref<10240xi32, #tpu.memory_space<hbm>>) target(%arg8 : memref<10240xi32, #tpu.memory_space<vmem>>) target_semaphore(%run_scoped3A : memref<!tpu.dma_semaphore, #tpu.memory_space<semaphore_mem>>)
      %dma_wait3A = tpu.memref_slice %arg3[%mul3A_2] : memref<327680xi32, #tpu.memory_space<hbm>> -> memref<10240xi32, #tpu.memory_space<hbm>>
      %dma_wait3A_33 = tpu.memref_slice %arg3[%mul3A_2] : memref<327680xi32, #tpu.memory_space<hbm>> -> memref<10240xi32, #tpu.memory_space<hbm>>
      tpu.wait_dma2 semaphore(%run_scoped3A : memref<!tpu.dma_semaphore, #tpu.memory_space<semaphore_mem>>) src(%dma_wait3A_33 : memref<10240xi32, #tpu.memory_space<hbm>>) dst(%arg8 : memref<10240xi32, #tpu.memory_space<vmem>>)
      tpu.yield
    }) : () -> ()
    %mul3A_3 = arith.constant 160 : i32
    %mul3A_4 = arith.muli %add3A, %mul3A_3 : i32
    "tpu.region"() ({
      %run_scoped3A = tpu.sem_alloc : memref<!tpu.dma_semaphore, #tpu.memory_space<semaphore_mem>>
      %dma_start3A_31 = arith.constant 0 : i32
      %dma_start3A_32 = tpu.memref_slice %arg4[%mul3A_4, %dma_start3A_31] : memref<5120x64xi32, #tpu.memory_space<hbm>> -> memref<160x64xi32, #tpu.memory_space<hbm>>
      %dma_start3A_33 = arith.constant 0 : i32
      %dma_start3A_34 = tpu.memref_slice %arg4[%mul3A_4, %dma_start3A_33] : memref<5120x64xi32, #tpu.memory_space<hbm>> -> memref<160x64xi32, #tpu.memory_space<hbm>>
      tpu.enqueue_dma source(%dma_start3A_34 : memref<160x64xi32, #tpu.memory_space<hbm>>) target(%arg9 : memref<160x64xi32, #tpu.memory_space<vmem>>) target_semaphore(%run_scoped3A : memref<!tpu.dma_semaphore, #tpu.memory_space<semaphore_mem>>)
      %dma_wait3A = arith.constant 0 : i32
      %dma_wait3A_35 = tpu.memref_slice %arg4[%mul3A_4, %dma_wait3A] : memref<5120x64xi32, #tpu.memory_space<hbm>> -> memref<160x64xi32, #tpu.memory_space<hbm>>
      %dma_wait3A_36 = arith.constant 0 : i32
      %dma_wait3A_37 = tpu.memref_slice %arg4[%mul3A_4, %dma_wait3A_36] : memref<5120x64xi32, #tpu.memory_space<hbm>> -> memref<160x64xi32, #tpu.memory_space<hbm>>
      tpu.wait_dma2 semaphore(%run_scoped3A : memref<!tpu.dma_semaphore, #tpu.memory_space<semaphore_mem>>) src(%dma_wait3A_37 : memref<160x64xi32, #tpu.memory_space<hbm>>) dst(%arg9 : memref<160x64xi32, #tpu.memory_space<vmem>>)
      tpu.yield
    }) : () -> ()
    %mul3A_5 = arith.constant 632 : i32
    %mul3A_6 = arith.muli %arg1, %mul3A_5 : i32
    %mul3A_7 = arith.constant 632 : i32
    %mul3A_8 = arith.muli %arg1, %mul3A_7 : i32
    "tpu.region"() ({
      %run_scoped3A = tpu.sem_alloc : memref<!tpu.dma_semaphore, #tpu.memory_space<semaphore_mem>>
      %dma_start3A_31 = arith.constant 0 : i32
      %dma_start3A_32 = tpu.memref_slice %arg7[%mul3A_8, %dma_start3A_31] : memref<10112x128xf32, #tpu.memory_space<vmem_shared>> -> memref<632x128xf32, #tpu.memory_space<vmem_shared>>
      %dma_start3A_33 = arith.constant 0 : i32
      %dma_start3A_34 = tpu.memref_slice %arg5[%mul3A_6, %dma_start3A_33] : memref<10112x128xf32, #tpu.memory_space<hbm>> -> memref<632x128xf32, #tpu.memory_space<hbm>>
      tpu.enqueue_dma source(%dma_start3A_34 : memref<632x128xf32, #tpu.memory_space<hbm>>) target(%dma_start3A_32 : memref<632x128xf32, #tpu.memory_space<vmem_shared>>) target_semaphore(%run_scoped3A : memref<!tpu.dma_semaphore, #tpu.memory_space<semaphore_mem>>)
      %dma_wait3A = arith.constant 0 : i32
      %dma_wait3A_35 = tpu.memref_slice %arg7[%mul3A_8, %dma_wait3A] : memref<10112x128xf32, #tpu.memory_space<vmem_shared>> -> memref<632x128xf32, #tpu.memory_space<vmem_shared>>
      %dma_wait3A_36 = arith.constant 0 : i32
      %dma_wait3A_37 = tpu.memref_slice %arg5[%mul3A_6, %dma_wait3A_36] : memref<10112x128xf32, #tpu.memory_space<hbm>> -> memref<632x128xf32, #tpu.memory_space<hbm>>
      tpu.wait_dma2 semaphore(%run_scoped3A : memref<!tpu.dma_semaphore, #tpu.memory_space<semaphore_mem>>) src(%dma_wait3A_37 : memref<632x128xf32, #tpu.memory_space<hbm>>) dst(%dma_wait3A_35 : memref<632x128xf32, #tpu.memory_space<vmem_shared>>)
      tpu.yield
    }) : () -> ()
    %barrier3A = arith.constant 0 : index
    tpu.barrier barrier_id(%barrier3A)
    %multiple_of3A = arith.constant 0 : i32
    %multiple_of3A_9 = tpu.assume_multiple %multiple_of3A, 64 : i32
    %dma_start3A = tpu.memref_slice %arg8[%multiple_of3A_9] : memref<10240xi32, #tpu.memory_space<vmem>> -> memref<64xi32, #tpu.memory_space<vmem>>
    %dma_start3A_10 = arith.constant 0 : i32
    %dma_start3A_11 = arith.constant 0 : i32
    %dma_start3A_12 = tpu.memref_slice %arg2[%dma_start3A_10, %dma_start3A_11] : memref<10000x128xf32, #tpu.memory_space<hbm>> -> memref<10000x128xf32, #tpu.memory_space<hbm>>
    tpu.enqueue_indirect_dma source(%dma_start3A_12 : memref<10000x128xf32, #tpu.memory_space<hbm>>) target(%arg10 : memref<64x128xf32, #tpu.memory_space<vmem>>) offsets(%dma_start3A : memref<64xi32, #tpu.memory_space<vmem>>) semaphore(%arg12 : memref<!tpu.dma_semaphore, #tpu.memory_space<semaphore_mem>>)
    %multiple_of3A_13 = arith.constant 64 : i32
    %multiple_of3A_14 = tpu.assume_multiple %multiple_of3A_13, 64 : i32
    %dma_start3A_15 = tpu.memref_slice %arg8[%multiple_of3A_14] : memref<10240xi32, #tpu.memory_space<vmem>> -> memref<64xi32, #tpu.memory_space<vmem>>
    %dma_start3A_16 = arith.constant 0 : i32
    %dma_start3A_17 = arith.constant 0 : i32
    %dma_start3A_18 = tpu.memref_slice %arg2[%dma_start3A_16, %dma_start3A_17] : memref<10000x128xf32, #tpu.memory_space<hbm>> -> memref<10000x128xf32, #tpu.memory_space<hbm>>
    tpu.enqueue_indirect_dma source(%dma_start3A_18 : memref<10000x128xf32, #tpu.memory_space<hbm>>) target(%arg11 : memref<64x128xf32, #tpu.memory_space<vmem>>) offsets(%dma_start3A_15 : memref<64xi32, #tpu.memory_space<vmem>>) semaphore(%arg13 : memref<!tpu.dma_semaphore, #tpu.memory_space<semaphore_mem>>)
    %scan3A = arith.constant 0 : i32
    %scan3A_19 = arith.constant 0 : i32
    %scan3A_20 = arith.constant 80 : i32
    %scan3A_21 = arith.addi %scan3A_19, %scan3A_20 : i32
    %scan3A_22 = arith.constant 1 : i32
    scf.for %scan3A_31 = %scan3A_19 to %scan3A_21 step %scan3A_22  : i32 {
      %mul3A_32 = arith.constant 2 : i32
      %mul3A_33 = arith.muli %scan3A_31, %mul3A_32 : i32
      %add3A_34 = arith.constant 0 : i32
      %add3A_35 = arith.addi %mul3A_33, %add3A_34 : i32
      %mul3A_36 = arith.constant 64 : i32
      %mul3A_37 = arith.muli %add3A_35, %mul3A_36 : i32
      %multiple_of3A_38 = tpu.assume_multiple %mul3A_37, 64 : i32
      %dma_wait3A = tpu.memref_slice %arg8[%multiple_of3A_38] : memref<10240xi32, #tpu.memory_space<vmem>> -> memref<64xi32, #tpu.memory_space<vmem>>
      %dma_wait3A_39 = arith.constant 0 : i32
      %dma_wait3A_40 = arith.constant 0 : i32
      %dma_wait3A_41 = tpu.memref_slice %arg2[%dma_wait3A_39, %dma_wait3A_40] : memref<10000x128xf32, #tpu.memory_space<hbm>> -> memref<10000x128xf32, #tpu.memory_space<hbm>>
      tpu.wait_indirect_dma semaphore(%arg12 : memref<!tpu.dma_semaphore, #tpu.memory_space<semaphore_mem>>) src(%dma_wait3A_41 : memref<10000x128xf32, #tpu.memory_space<hbm>>) dst(%arg10 : memref<64x128xf32, #tpu.memory_space<vmem>>)
      "tpu.region"() ({
        %run_scoped3A = tpu.sem_alloc : memref<!tpu.dma_semaphore, #tpu.memory_space<semaphore_mem>>
        %dma_start3A_67 = arith.constant 0 : i32
        %dma_start3A_68 = tpu.memref_slice %arg9[%add3A_35, %dma_start3A_67] : memref<160x64xi32, #tpu.memory_space<vmem>> -> memref<1x64xi32, #tpu.memory_space<vmem>>
        %dma_start3A_69 = tpu.memref_squeeze %dma_start3A_68 : memref<1x64xi32, #tpu.memory_space<vmem>> -> memref<64xi32, #tpu.memory_space<vmem>>
        %dma_start3A_70 = arith.constant 0 : i32
        %dma_start3A_71 = arith.constant 0 : i32
        %dma_start3A_72 = tpu.memref_slice %arg7[%dma_start3A_70, %dma_start3A_71] : memref<10112x128xf32, #tpu.memory_space<vmem_shared>> -> memref<10112x128xf32, #tpu.memory_space<vmem_shared>>
        tpu.enqueue_indirect_dma source(%arg10 : memref<64x128xf32, #tpu.memory_space<vmem>>) target(%dma_start3A_72 : memref<10112x128xf32, #tpu.memory_space<vmem_shared>>) offsets(%dma_start3A_69 : memref<64xi32, #tpu.memory_space<vmem>>) semaphore(%run_scoped3A : memref<!tpu.dma_semaphore, #tpu.memory_space<semaphore_mem>>) {add = true}
        %dma_wait3A_73 = arith.constant 0 : i32
        %dma_wait3A_74 = tpu.memref_slice %arg9[%add3A_35, %dma_wait3A_73] : memref<160x64xi32, #tpu.memory_space<vmem>> -> memref<1x64xi32, #tpu.memory_space<vmem>>
        %dma_wait3A_75 = tpu.memref_squeeze %dma_wait3A_74 : memref<1x64xi32, #tpu.memory_space<vmem>> -> memref<64xi32, #tpu.memory_space<vmem>>
        %dma_wait3A_76 = arith.constant 0 : i32
        %dma_wait3A_77 = arith.constant 0 : i32
        %dma_wait3A_78 = tpu.memref_slice %arg7[%dma_wait3A_76, %dma_wait3A_77] : memref<10112x128xf32, #tpu.memory_space<vmem_shared>> -> memref<10112x128xf32, #tpu.memory_space<vmem_shared>>
        tpu.wait_indirect_dma semaphore(%run_scoped3A : memref<!tpu.dma_semaphore, #tpu.memory_space<semaphore_mem>>) src(%arg10 : memref<64x128xf32, #tpu.memory_space<vmem>>) dst(%dma_wait3A_78 : memref<10112x128xf32, #tpu.memory_space<vmem_shared>>)
        tpu.yield
      }) : () -> ()
      %add3A_42 = arith.constant 2 : i32
      %add3A_43 = arith.addi %add3A_35, %add3A_42 : i32
      %lt3A_44 = arith.constant 160 : i32
      %lt3A_45 = arith.cmpi slt, %add3A_43, %lt3A_44 : i32
      %convert_element_type3A_46 = arith.extui %lt3A_45 : i1 to i32
      %cond3A_47 = arith.constant 0 : i32
      %cond3A_48 = arith.cmpi ne, %convert_element_type3A_46, %cond3A_47 : i32
      scf.if %cond3A_48 {
        %add3A_67 = arith.constant 2 : i32
        %add3A_68 = arith.addi %add3A_35, %add3A_67 : i32
        %mul3A_69 = arith.constant 64 : i32
        %mul3A_70 = arith.muli %add3A_68, %mul3A_69 : i32
        %multiple_of3A_71 = tpu.assume_multiple %mul3A_70, 64 : i32
        %dma_start3A_72 = tpu.memref_slice %arg8[%multiple_of3A_71] : memref<10240xi32, #tpu.memory_space<vmem>> -> memref<64xi32, #tpu.memory_space<vmem>>
        %dma_start3A_73 = arith.constant 0 : i32
        %dma_start3A_74 = arith.constant 0 : i32
        %dma_start3A_75 = tpu.memref_slice %arg2[%dma_start3A_73, %dma_start3A_74] : memref<10000x128xf32, #tpu.memory_space<hbm>> -> memref<10000x128xf32, #tpu.memory_space<hbm>>
        tpu.enqueue_indirect_dma source(%dma_start3A_75 : memref<10000x128xf32, #tpu.memory_space<hbm>>) target(%arg10 : memref<64x128xf32, #tpu.memory_space<vmem>>) offsets(%dma_start3A_72 : memref<64xi32, #tpu.memory_space<vmem>>) semaphore(%arg12 : memref<!tpu.dma_semaphore, #tpu.memory_space<semaphore_mem>>)
      } else {
      }
      %mul3A_49 = arith.constant 2 : i32
      %mul3A_50 = arith.muli %scan3A_31, %mul3A_49 : i32
      %add3A_51 = arith.constant 1 : i32
      %add3A_52 = arith.addi %mul3A_50, %add3A_51 : i32
      %mul3A_53 = arith.constant 64 : i32
      %mul3A_54 = arith.muli %add3A_52, %mul3A_53 : i32
      %multiple_of3A_55 = tpu.assume_multiple %mul3A_54, 64 : i32
      %dma_wait3A_56 = tpu.memref_slice %arg8[%multiple_of3A_55] : memref<10240xi32, #tpu.memory_space<vmem>> -> memref<64xi32, #tpu.memory_space<vmem>>
      %dma_wait3A_57 = arith.constant 0 : i32
      %dma_wait3A_58 = arith.constant 0 : i32
      %dma_wait3A_59 = tpu.memref_slice %arg2[%dma_wait3A_57, %dma_wait3A_58] : memref<10000x128xf32, #tpu.memory_space<hbm>> -> memref<10000x128xf32, #tpu.memory_space<hbm>>
      tpu.wait_indirect_dma semaphore(%arg13 : memref<!tpu.dma_semaphore, #tpu.memory_space<semaphore_mem>>) src(%dma_wait3A_59 : memref<10000x128xf32, #tpu.memory_space<hbm>>) dst(%arg11 : memref<64x128xf32, #tpu.memory_space<vmem>>)
      "tpu.region"() ({
        %run_scoped3A = tpu.sem_alloc : memref<!tpu.dma_semaphore, #tpu.memory_space<semaphore_mem>>
        %dma_start3A_67 = arith.constant 0 : i32
        %dma_start3A_68 = tpu.memref_slice %arg9[%add3A_52, %dma_start3A_67] : memref<160x64xi32, #tpu.memory_space<vmem>> -> memref<1x64xi32, #tpu.memory_space<vmem>>
        %dma_start3A_69 = tpu.memref_squeeze %dma_start3A_68 : memref<1x64xi32, #tpu.memory_space<vmem>> -> memref<64xi32, #tpu.memory_space<vmem>>
        %dma_start3A_70 = arith.constant 0 : i32
        %dma_start3A_71 = arith.constant 0 : i32
        %dma_start3A_72 = tpu.memref_slice %arg7[%dma_start3A_70, %dma_start3A_71] : memref<10112x128xf32, #tpu.memory_space<vmem_shared>> -> memref<10112x128xf32, #tpu.memory_space<vmem_shared>>
        tpu.enqueue_indirect_dma source(%arg11 : memref<64x128xf32, #tpu.memory_space<vmem>>) target(%dma_start3A_72 : memref<10112x128xf32, #tpu.memory_space<vmem_shared>>) offsets(%dma_start3A_69 : memref<64xi32, #tpu.memory_space<vmem>>) semaphore(%run_scoped3A : memref<!tpu.dma_semaphore, #tpu.memory_space<semaphore_mem>>) {add = true}
        %dma_wait3A_73 = arith.constant 0 : i32
        %dma_wait3A_74 = tpu.memref_slice %arg9[%add3A_52, %dma_wait3A_73] : memref<160x64xi32, #tpu.memory_space<vmem>> -> memref<1x64xi32, #tpu.memory_space<vmem>>
        %dma_wait3A_75 = tpu.memref_squeeze %dma_wait3A_74 : memref<1x64xi32, #tpu.memory_space<vmem>> -> memref<64xi32, #tpu.memory_space<vmem>>
        %dma_wait3A_76 = arith.constant 0 : i32
        %dma_wait3A_77 = arith.constant 0 : i32
        %dma_wait3A_78 = tpu.memref_slice %arg7[%dma_wait3A_76, %dma_wait3A_77] : memref<10112x128xf32, #tpu.memory_space<vmem_shared>> -> memref<10112x128xf32, #tpu.memory_space<vmem_shared>>
        tpu.wait_indirect_dma semaphore(%run_scoped3A : memref<!tpu.dma_semaphore, #tpu.memory_space<semaphore_mem>>) src(%arg11 : memref<64x128xf32, #tpu.memory_space<vmem>>) dst(%dma_wait3A_78 : memref<10112x128xf32, #tpu.memory_space<vmem_shared>>)
        tpu.yield
      }) : () -> ()
      %add3A_60 = arith.constant 2 : i32
      %add3A_61 = arith.addi %add3A_52, %add3A_60 : i32
      %lt3A_62 = arith.constant 160 : i32
      %lt3A_63 = arith.cmpi slt, %add3A_61, %lt3A_62 : i32
      %convert_element_type3A_64 = arith.extui %lt3A_63 : i1 to i32
      %cond3A_65 = arith.constant 0 : i32
      %cond3A_66 = arith.cmpi ne, %convert_element_type3A_64, %cond3A_65 : i32
      scf.if %cond3A_66 {
        %add3A_67 = arith.constant 2 : i32
        %add3A_68 = arith.addi %add3A_52, %add3A_67 : i32
        %mul3A_69 = arith.constant 64 : i32
        %mul3A_70 = arith.muli %add3A_68, %mul3A_69 : i32
        %multiple_of3A_71 = tpu.assume_multiple %mul3A_70, 64 : i32
        %dma_start3A_72 = tpu.memref_slice %arg8[%multiple_of3A_71] : memref<10240xi32, #tpu.memory_space<vmem>> -> memref<64xi32, #tpu.memory_space<vmem>>
        %dma_start3A_73 = arith.constant 0 : i32
        %dma_start3A_74 = arith.constant 0 : i32
        %dma_start3A_75 = tpu.memref_slice %arg2[%dma_start3A_73, %dma_start3A_74] : memref<10000x128xf32, #tpu.memory_space<hbm>> -> memref<10000x128xf32, #tpu.memory_space<hbm>>
        tpu.enqueue_indirect_dma source(%dma_start3A_75 : memref<10000x128xf32, #tpu.memory_space<hbm>>) target(%arg11 : memref<64x128xf32, #tpu.memory_space<vmem>>) offsets(%dma_start3A_72 : memref<64xi32, #tpu.memory_space<vmem>>) semaphore(%arg13 : memref<!tpu.dma_semaphore, #tpu.memory_space<semaphore_mem>>)
      } else {
      }
    }
    %scan3A_23 = arith.constant 80 : i32
    %barrier3A_24 = arith.constant 0 : index
    tpu.barrier barrier_id(%barrier3A_24)
    %lt3A = arith.constant 15 : i32
    %lt3A_25 = arith.cmpi slt, %arg1, %lt3A : i32
    %convert_element_type3A = arith.extui %lt3A_25 : i1 to i32
    %cond3A = arith.constant 0 : i32
    %cond3A_26 = arith.cmpi ne, %convert_element_type3A, %cond3A : i32
    scf.if %cond3A_26 {
      %mul3A_31 = arith.constant 632 : i32
      %mul3A_32 = arith.muli %arg1, %mul3A_31 : i32
      %mul3A_33 = arith.constant 632 : i32
      %mul3A_34 = arith.muli %arg1, %mul3A_33 : i32
      "tpu.region"() ({
        %run_scoped3A = tpu.sem_alloc : memref<!tpu.dma_semaphore, #tpu.memory_space<semaphore_mem>>
        %dma_start3A_35 = arith.constant 0 : i32
        %dma_start3A_36 = tpu.memref_slice %arg6[%arg0, %mul3A_34, %dma_start3A_35] : memref<2x10000x128xf32, #tpu.memory_space<hbm>> -> memref<1x632x128xf32, #tpu.memory_space<hbm>>
        %dma_start3A_37 = tpu.memref_squeeze %dma_start3A_36 : memref<1x632x128xf32, #tpu.memory_space<hbm>> -> memref<632x128xf32, #tpu.memory_space<hbm>>
        %dma_start3A_38 = arith.constant 0 : i32
        %dma_start3A_39 = tpu.memref_slice %arg7[%mul3A_32, %dma_start3A_38] : memref<10112x128xf32, #tpu.memory_space<vmem_shared>> -> memref<632x128xf32, #tpu.memory_space<vmem_shared>>
        tpu.enqueue_dma source(%dma_start3A_39 : memref<632x128xf32, #tpu.memory_space<vmem_shared>>) target(%dma_start3A_37 : memref<632x128xf32, #tpu.memory_space<hbm>>) target_semaphore(%run_scoped3A : memref<!tpu.dma_semaphore, #tpu.memory_space<semaphore_mem>>)
        %dma_wait3A = arith.constant 0 : i32
        %dma_wait3A_40 = tpu.memref_slice %arg6[%arg0, %mul3A_34, %dma_wait3A] : memref<2x10000x128xf32, #tpu.memory_space<hbm>> -> memref<1x632x128xf32, #tpu.memory_space<hbm>>
        %dma_wait3A_41 = tpu.memref_squeeze %dma_wait3A_40 : memref<1x632x128xf32, #tpu.memory_space<hbm>> -> memref<632x128xf32, #tpu.memory_space<hbm>>
        %dma_wait3A_42 = arith.constant 0 : i32
        %dma_wait3A_43 = tpu.memref_slice %arg7[%mul3A_32, %dma_wait3A_42] : memref<10112x128xf32, #tpu.memory_space<vmem_shared>> -> memref<632x128xf32, #tpu.memory_space<vmem_shared>>
        tpu.wait_dma2 semaphore(%run_scoped3A : memref<!tpu.dma_semaphore, #tpu.memory_space<semaphore_mem>>) src(%dma_wait3A_43 : memref<632x128xf32, #tpu.memory_space<vmem_shared>>) dst(%dma_wait3A_41 : memref<632x128xf32, #tpu.memory_space<hbm>>)
        tpu.yield
      }) : () -> ()
    } else {
    }
    %eq3A = arith.constant 15 : i32
    %eq3A_27 = arith.cmpi eq, %arg1, %eq3A : i32
    %convert_element_type3A_28 = arith.extui %eq3A_27 : i1 to i32
    %cond3A_29 = arith.constant 0 : i32
    %cond3A_30 = arith.cmpi ne, %convert_element_type3A_28, %cond3A_29 : i32
    scf.if %cond3A_30 {
      "tpu.region"() ({
        %run_scoped3A = tpu.sem_alloc : memref<!tpu.dma_semaphore, #tpu.memory_space<semaphore_mem>>
        %dma_start3A_31 = arith.constant 9480 : i32
        %dma_start3A_32 = arith.constant 0 : i32
        %dma_start3A_33 = tpu.memref_slice %arg6[%arg0, %dma_start3A_31, %dma_start3A_32] : memref<2x10000x128xf32, #tpu.memory_space<hbm>> -> memref<1x520x128xf32, #tpu.memory_space<hbm>>
        %dma_start3A_34 = tpu.memref_squeeze %dma_start3A_33 : memref<1x520x128xf32, #tpu.memory_space<hbm>> -> memref<520x128xf32, #tpu.memory_space<hbm>>
        %dma_start3A_35 = arith.constant 9480 : i32
        %dma_start3A_36 = arith.constant 0 : i32
        %dma_start3A_37 = tpu.memref_slice %arg7[%dma_start3A_35, %dma_start3A_36] : memref<10112x128xf32, #tpu.memory_space<vmem_shared>> -> memref<520x128xf32, #tpu.memory_space<vmem_shared>>
        tpu.enqueue_dma source(%dma_start3A_37 : memref<520x128xf32, #tpu.memory_space<vmem_shared>>) target(%dma_start3A_34 : memref<520x128xf32, #tpu.memory_space<hbm>>) target_semaphore(%run_scoped3A : memref<!tpu.dma_semaphore, #tpu.memory_space<semaphore_mem>>)
        %dma_wait3A = arith.constant 9480 : i32
        %dma_wait3A_38 = arith.constant 0 : i32
        %dma_wait3A_39 = tpu.memref_slice %arg6[%arg0, %dma_wait3A, %dma_wait3A_38] : memref<2x10000x128xf32, #tpu.memory_space<hbm>> -> memref<1x520x128xf32, #tpu.memory_space<hbm>>
        %dma_wait3A_40 = tpu.memref_squeeze %dma_wait3A_39 : memref<1x520x128xf32, #tpu.memory_space<hbm>> -> memref<520x128xf32, #tpu.memory_space<hbm>>
        %dma_wait3A_41 = arith.constant 9480 : i32
        %dma_wait3A_42 = arith.constant 0 : i32
        %dma_wait3A_43 = tpu.memref_slice %arg7[%dma_wait3A_41, %dma_wait3A_42] : memref<10112x128xf32, #tpu.memory_space<vmem_shared>> -> memref<520x128xf32, #tpu.memory_space<vmem_shared>>
        tpu.wait_dma2 semaphore(%run_scoped3A : memref<!tpu.dma_semaphore, #tpu.memory_space<semaphore_mem>>) src(%dma_wait3A_43 : memref<520x128xf32, #tpu.memory_space<vmem_shared>>) dst(%dma_wait3A_40 : memref<520x128xf32, #tpu.memory_space<hbm>>)
        tpu.yield
      }) : () -> ()
    } else {
    }
    return
  }
}

#map = affine_map<(d0, d1) -> (0, 0)>
#map1 = affine_map<(d0, d1) -> (0, 0, 0)>
module attributes {stable_mosaic.version = 14 : i64} {
  func.func @_deg_kernel(%arg0: i32, %arg1: i32, %arg2: memref<5120x64xi32, #tpu.memory_space<hbm>>, %arg3: memref<10112x128xf32, #tpu.memory_space<hbm>>, %arg4: memref<64x128xf32, #tpu.memory_space<hbm>>, %arg5: memref<2x10000x128xf32, #tpu.memory_space<hbm>>, %arg6: memref<10112x128xf32, #tpu.memory_space<vmem_shared>>, %arg7: memref<160x64xi32, #tpu.memory_space<vmem>>, %arg8: memref<64x128xf32, #tpu.memory_space<vmem>>) attributes {dimension_semantics = [#tpu.dimension_semantics<core_parallel>, #tpu.dimension_semantics<subcore_parallel>], iteration_bounds = array<i64: 2, 16>, scalar_prefetch = 0 : i64, scratch_operands = 3 : i64, tpu.core_type = #tpu.core_type<sc_vector_subcore>, window_params = [{transform_indices = #map}, {transform_indices = #map}, {transform_indices = #map}, {transform_indices = #map1}]} {
    %mul3A = arith.constant 16 : i32
    %mul3A_0 = arith.muli %arg0, %mul3A : i32
    %add3A = arith.addi %mul3A_0, %arg1 : i32
    %mul3A_1 = arith.constant 160 : i32
    %mul3A_2 = arith.muli %add3A, %mul3A_1 : i32
    "tpu.region"() ({
      %run_scoped3A = tpu.sem_alloc : memref<!tpu.dma_semaphore, #tpu.memory_space<semaphore_mem>>
      %dma_start3A = arith.constant 0 : i32
      %dma_start3A_19 = tpu.memref_slice %arg2[%mul3A_2, %dma_start3A] : memref<5120x64xi32, #tpu.memory_space<hbm>> -> memref<160x64xi32, #tpu.memory_space<hbm>>
      %dma_start3A_20 = arith.constant 0 : i32
      %dma_start3A_21 = tpu.memref_slice %arg2[%mul3A_2, %dma_start3A_20] : memref<5120x64xi32, #tpu.memory_space<hbm>> -> memref<160x64xi32, #tpu.memory_space<hbm>>
      tpu.enqueue_dma source(%dma_start3A_21 : memref<160x64xi32, #tpu.memory_space<hbm>>) target(%arg7 : memref<160x64xi32, #tpu.memory_space<vmem>>) target_semaphore(%run_scoped3A : memref<!tpu.dma_semaphore, #tpu.memory_space<semaphore_mem>>)
      %dma_wait3A = arith.constant 0 : i32
      %dma_wait3A_22 = tpu.memref_slice %arg2[%mul3A_2, %dma_wait3A] : memref<5120x64xi32, #tpu.memory_space<hbm>> -> memref<160x64xi32, #tpu.memory_space<hbm>>
      %dma_wait3A_23 = arith.constant 0 : i32
      %dma_wait3A_24 = tpu.memref_slice %arg2[%mul3A_2, %dma_wait3A_23] : memref<5120x64xi32, #tpu.memory_space<hbm>> -> memref<160x64xi32, #tpu.memory_space<hbm>>
      tpu.wait_dma2 semaphore(%run_scoped3A : memref<!tpu.dma_semaphore, #tpu.memory_space<semaphore_mem>>) src(%dma_wait3A_24 : memref<160x64xi32, #tpu.memory_space<hbm>>) dst(%arg7 : memref<160x64xi32, #tpu.memory_space<vmem>>)
      tpu.yield
    }) : () -> ()
    "tpu.region"() ({
      %run_scoped3A = tpu.sem_alloc : memref<!tpu.dma_semaphore, #tpu.memory_space<semaphore_mem>>
      tpu.enqueue_dma source(%arg4 : memref<64x128xf32, #tpu.memory_space<hbm>>) target(%arg8 : memref<64x128xf32, #tpu.memory_space<vmem>>) target_semaphore(%run_scoped3A : memref<!tpu.dma_semaphore, #tpu.memory_space<semaphore_mem>>)
      tpu.wait_dma2 semaphore(%run_scoped3A : memref<!tpu.dma_semaphore, #tpu.memory_space<semaphore_mem>>) src(%arg4 : memref<64x128xf32, #tpu.memory_space<hbm>>) dst(%arg8 : memref<64x128xf32, #tpu.memory_space<vmem>>)
      tpu.yield
    }) : () -> ()
    %mul3A_3 = arith.constant 632 : i32
    %mul3A_4 = arith.muli %arg1, %mul3A_3 : i32
    %mul3A_5 = arith.constant 632 : i32
    %mul3A_6 = arith.muli %arg1, %mul3A_5 : i32
    "tpu.region"() ({
      %run_scoped3A = tpu.sem_alloc : memref<!tpu.dma_semaphore, #tpu.memory_space<semaphore_mem>>
      %dma_start3A = arith.constant 0 : i32
      %dma_start3A_19 = tpu.memref_slice %arg6[%mul3A_6, %dma_start3A] : memref<10112x128xf32, #tpu.memory_space<vmem_shared>> -> memref<632x128xf32, #tpu.memory_space<vmem_shared>>
      %dma_start3A_20 = arith.constant 0 : i32
      %dma_start3A_21 = tpu.memref_slice %arg3[%mul3A_4, %dma_start3A_20] : memref<10112x128xf32, #tpu.memory_space<hbm>> -> memref<632x128xf32, #tpu.memory_space<hbm>>
      tpu.enqueue_dma source(%dma_start3A_21 : memref<632x128xf32, #tpu.memory_space<hbm>>) target(%dma_start3A_19 : memref<632x128xf32, #tpu.memory_space<vmem_shared>>) target_semaphore(%run_scoped3A : memref<!tpu.dma_semaphore, #tpu.memory_space<semaphore_mem>>)
      %dma_wait3A = arith.constant 0 : i32
      %dma_wait3A_22 = tpu.memref_slice %arg6[%mul3A_6, %dma_wait3A] : memref<10112x128xf32, #tpu.memory_space<vmem_shared>> -> memref<632x128xf32, #tpu.memory_space<vmem_shared>>
      %dma_wait3A_23 = arith.constant 0 : i32
      %dma_wait3A_24 = tpu.memref_slice %arg3[%mul3A_4, %dma_wait3A_23] : memref<10112x128xf32, #tpu.memory_space<hbm>> -> memref<632x128xf32, #tpu.memory_space<hbm>>
      tpu.wait_dma2 semaphore(%run_scoped3A : memref<!tpu.dma_semaphore, #tpu.memory_space<semaphore_mem>>) src(%dma_wait3A_24 : memref<632x128xf32, #tpu.memory_space<hbm>>) dst(%dma_wait3A_22 : memref<632x128xf32, #tpu.memory_space<vmem_shared>>)
      tpu.yield
    }) : () -> ()
    %barrier3A = arith.constant 0 : index
    tpu.barrier barrier_id(%barrier3A)
    %scan3A = arith.constant 0 : i32
    %scan3A_7 = arith.constant 0 : i32
    %scan3A_8 = arith.constant 160 : i32
    %scan3A_9 = arith.addi %scan3A_7, %scan3A_8 : i32
    %scan3A_10 = arith.constant 1 : i32
    scf.for %scan3A_19 = %scan3A_7 to %scan3A_9 step %scan3A_10  : i32 {
      "tpu.region"() ({
        %run_scoped3A = tpu.sem_alloc : memref<!tpu.dma_semaphore, #tpu.memory_space<semaphore_mem>>
        %dma_start3A = arith.constant 0 : i32
        %dma_start3A_20 = tpu.memref_slice %arg7[%scan3A_19, %dma_start3A] : memref<160x64xi32, #tpu.memory_space<vmem>> -> memref<1x64xi32, #tpu.memory_space<vmem>>
        %dma_start3A_21 = tpu.memref_squeeze %dma_start3A_20 : memref<1x64xi32, #tpu.memory_space<vmem>> -> memref<64xi32, #tpu.memory_space<vmem>>
        %dma_start3A_22 = arith.constant 0 : i32
        %dma_start3A_23 = arith.constant 0 : i32
        %dma_start3A_24 = tpu.memref_slice %arg6[%dma_start3A_22, %dma_start3A_23] : memref<10112x128xf32, #tpu.memory_space<vmem_shared>> -> memref<10112x128xf32, #tpu.memory_space<vmem_shared>>
        tpu.enqueue_indirect_dma source(%arg8 : memref<64x128xf32, #tpu.memory_space<vmem>>) target(%dma_start3A_24 : memref<10112x128xf32, #tpu.memory_space<vmem_shared>>) offsets(%dma_start3A_21 : memref<64xi32, #tpu.memory_space<vmem>>) semaphore(%run_scoped3A : memref<!tpu.dma_semaphore, #tpu.memory_space<semaphore_mem>>) {add = true}
        %dma_wait3A = arith.constant 0 : i32
        %dma_wait3A_25 = tpu.memref_slice %arg7[%scan3A_19, %dma_wait3A] : memref<160x64xi32, #tpu.memory_space<vmem>> -> memref<1x64xi32, #tpu.memory_space<vmem>>
        %dma_wait3A_26 = tpu.memref_squeeze %dma_wait3A_25 : memref<1x64xi32, #tpu.memory_space<vmem>> -> memref<64xi32, #tpu.memory_space<vmem>>
        %dma_wait3A_27 = arith.constant 0 : i32
        %dma_wait3A_28 = arith.constant 0 : i32
        %dma_wait3A_29 = tpu.memref_slice %arg6[%dma_wait3A_27, %dma_wait3A_28] : memref<10112x128xf32, #tpu.memory_space<vmem_shared>> -> memref<10112x128xf32, #tpu.memory_space<vmem_shared>>
        tpu.wait_indirect_dma semaphore(%run_scoped3A : memref<!tpu.dma_semaphore, #tpu.memory_space<semaphore_mem>>) src(%arg8 : memref<64x128xf32, #tpu.memory_space<vmem>>) dst(%dma_wait3A_29 : memref<10112x128xf32, #tpu.memory_space<vmem_shared>>)
        tpu.yield
      }) : () -> ()
    }
    %scan3A_11 = arith.constant 160 : i32
    %barrier3A_12 = arith.constant 0 : index
    tpu.barrier barrier_id(%barrier3A_12)
    %lt3A = arith.constant 15 : i32
    %lt3A_13 = arith.cmpi slt, %arg1, %lt3A : i32
    %convert_element_type3A = arith.extui %lt3A_13 : i1 to i32
    %cond3A = arith.constant 0 : i32
    %cond3A_14 = arith.cmpi ne, %convert_element_type3A, %cond3A : i32
    scf.if %cond3A_14 {
      %mul3A_19 = arith.constant 632 : i32
      %mul3A_20 = arith.muli %arg1, %mul3A_19 : i32
      %mul3A_21 = arith.constant 632 : i32
      %mul3A_22 = arith.muli %arg1, %mul3A_21 : i32
      "tpu.region"() ({
        %run_scoped3A = tpu.sem_alloc : memref<!tpu.dma_semaphore, #tpu.memory_space<semaphore_mem>>
        %dma_start3A = arith.constant 0 : i32
        %dma_start3A_23 = tpu.memref_slice %arg5[%arg0, %mul3A_22, %dma_start3A] : memref<2x10000x128xf32, #tpu.memory_space<hbm>> -> memref<1x632x128xf32, #tpu.memory_space<hbm>>
        %dma_start3A_24 = tpu.memref_squeeze %dma_start3A_23 : memref<1x632x128xf32, #tpu.memory_space<hbm>> -> memref<632x128xf32, #tpu.memory_space<hbm>>
        %dma_start3A_25 = arith.constant 0 : i32
        %dma_start3A_26 = tpu.memref_slice %arg6[%mul3A_20, %dma_start3A_25] : memref<10112x128xf32, #tpu.memory_space<vmem_shared>> -> memref<632x128xf32, #tpu.memory_space<vmem_shared>>
        tpu.enqueue_dma source(%dma_start3A_26 : memref<632x128xf32, #tpu.memory_space<vmem_shared>>) target(%dma_start3A_24 : memref<632x128xf32, #tpu.memory_space<hbm>>) target_semaphore(%run_scoped3A : memref<!tpu.dma_semaphore, #tpu.memory_space<semaphore_mem>>)
        %dma_wait3A = arith.constant 0 : i32
        %dma_wait3A_27 = tpu.memref_slice %arg5[%arg0, %mul3A_22, %dma_wait3A] : memref<2x10000x128xf32, #tpu.memory_space<hbm>> -> memref<1x632x128xf32, #tpu.memory_space<hbm>>
        %dma_wait3A_28 = tpu.memref_squeeze %dma_wait3A_27 : memref<1x632x128xf32, #tpu.memory_space<hbm>> -> memref<632x128xf32, #tpu.memory_space<hbm>>
        %dma_wait3A_29 = arith.constant 0 : i32
        %dma_wait3A_30 = tpu.memref_slice %arg6[%mul3A_20, %dma_wait3A_29] : memref<10112x128xf32, #tpu.memory_space<vmem_shared>> -> memref<632x128xf32, #tpu.memory_space<vmem_shared>>
        tpu.wait_dma2 semaphore(%run_scoped3A : memref<!tpu.dma_semaphore, #tpu.memory_space<semaphore_mem>>) src(%dma_wait3A_30 : memref<632x128xf32, #tpu.memory_space<vmem_shared>>) dst(%dma_wait3A_28 : memref<632x128xf32, #tpu.memory_space<hbm>>)
        tpu.yield
      }) : () -> ()
    } else {
    }
    %eq3A = arith.constant 15 : i32
    %eq3A_15 = arith.cmpi eq, %arg1, %eq3A : i32
    %convert_element_type3A_16 = arith.extui %eq3A_15 : i1 to i32
    %cond3A_17 = arith.constant 0 : i32
    %cond3A_18 = arith.cmpi ne, %convert_element_type3A_16, %cond3A_17 : i32
    scf.if %cond3A_18 {
      "tpu.region"() ({
        %run_scoped3A = tpu.sem_alloc : memref<!tpu.dma_semaphore, #tpu.memory_space<semaphore_mem>>
        %dma_start3A = arith.constant 9480 : i32
        %dma_start3A_19 = arith.constant 0 : i32
        %dma_start3A_20 = tpu.memref_slice %arg5[%arg0, %dma_start3A, %dma_start3A_19] : memref<2x10000x128xf32, #tpu.memory_space<hbm>> -> memref<1x520x128xf32, #tpu.memory_space<hbm>>
        %dma_start3A_21 = tpu.memref_squeeze %dma_start3A_20 : memref<1x520x128xf32, #tpu.memory_space<hbm>> -> memref<520x128xf32, #tpu.memory_space<hbm>>
        %dma_start3A_22 = arith.constant 9480 : i32
        %dma_start3A_23 = arith.constant 0 : i32
        %dma_start3A_24 = tpu.memref_slice %arg6[%dma_start3A_22, %dma_start3A_23] : memref<10112x128xf32, #tpu.memory_space<vmem_shared>> -> memref<520x128xf32, #tpu.memory_space<vmem_shared>>
        tpu.enqueue_dma source(%dma_start3A_24 : memref<520x128xf32, #tpu.memory_space<vmem_shared>>) target(%dma_start3A_21 : memref<520x128xf32, #tpu.memory_space<hbm>>) target_semaphore(%run_scoped3A : memref<!tpu.dma_semaphore, #tpu.memory_space<semaphore_mem>>)
        %dma_wait3A = arith.constant 9480 : i32
        %dma_wait3A_25 = arith.constant 0 : i32
        %dma_wait3A_26 = tpu.memref_slice %arg5[%arg0, %dma_wait3A, %dma_wait3A_25] : memref<2x10000x128xf32, #tpu.memory_space<hbm>> -> memref<1x520x128xf32, #tpu.memory_space<hbm>>
        %dma_wait3A_27 = tpu.memref_squeeze %dma_wait3A_26 : memref<1x520x128xf32, #tpu.memory_space<hbm>> -> memref<520x128xf32, #tpu.memory_space<hbm>>
        %dma_wait3A_28 = arith.constant 9480 : i32
        %dma_wait3A_29 = arith.constant 0 : i32
        %dma_wait3A_30 = tpu.memref_slice %arg6[%dma_wait3A_28, %dma_wait3A_29] : memref<10112x128xf32, #tpu.memory_space<vmem_shared>> -> memref<520x128xf32, #tpu.memory_space<vmem_shared>>
        tpu.wait_dma2 semaphore(%run_scoped3A : memref<!tpu.dma_semaphore, #tpu.memory_space<semaphore_mem>>) src(%dma_wait3A_30 : memref<520x128xf32, #tpu.memory_space<vmem_shared>>) dst(%dma_wait3A_27 : memref<520x128xf32, #tpu.memory_space<hbm>>)
        tpu.yield
      }) : () -> ()
    } else {
    }
    return
  }
}

#map = affine_map<(d0, d1) -> (0, 0)>
#map1 = affine_map<(d0, d1) -> (0)>
#map2 = affine_map<(d0, d1) -> (0, 0, 0)>
module attributes {stable_mosaic.version = 14 : i64} {
  func.func @_mp_kernel(%arg0: i32, %arg1: i32, %arg2: memref<10000x128xf32, #tpu.memory_space<hbm>>, %arg3: memref<327680xi32, #tpu.memory_space<hbm>>, %arg4: memref<5120x64xi32, #tpu.memory_space<hbm>>, %arg5: memref<10112x128xf32, #tpu.memory_space<hbm>>, %arg6: memref<2x10000x128xf32, #tpu.memory_space<hbm>>, %arg7: memref<10112x128xf32, #tpu.memory_space<vmem_shared>>, %arg8: memref<10240xi32, #tpu.memory_space<vmem>>, %arg9: memref<160x64xi32, #tpu.memory_space<vmem>>, %arg10: memref<64x128xf32, #tpu.memory_space<vmem>>, %arg11: memref<64x128xf32, #tpu.memory_space<vmem>>, %arg12: memref<!tpu.dma_semaphore, #tpu.memory_space<semaphore_mem>>, %arg13: memref<!tpu.dma_semaphore, #tpu.memory_space<semaphore_mem>>) attributes {dimension_semantics = [#tpu.dimension_semantics<core_parallel>, #tpu.dimension_semantics<subcore_parallel>], iteration_bounds = array<i64: 2, 16>, scalar_prefetch = 0 : i64, scratch_operands = 7 : i64, tpu.core_type = #tpu.core_type<sc_vector_subcore>, window_params = [{transform_indices = #map}, {transform_indices = #map1}, {transform_indices = #map}, {transform_indices = #map}, {transform_indices = #map2}]} {
    %mul3A = arith.constant 16 : i32
    %mul3A_0 = arith.muli %arg0, %mul3A : i32
    %add3A = arith.addi %mul3A_0, %arg1 : i32
    %mul3A_1 = arith.constant 10240 : i32
    %mul3A_2 = arith.muli %add3A, %mul3A_1 : i32
    "tpu.region"() ({
      %run_scoped3A = tpu.sem_alloc : memref<!tpu.dma_semaphore, #tpu.memory_space<semaphore_mem>>
      %dma_start3A_31 = tpu.memref_slice %arg3[%mul3A_2] : memref<327680xi32, #tpu.memory_space<hbm>> -> memref<10240xi32, #tpu.memory_space<hbm>>
      %dma_start3A_32 = tpu.memref_slice %arg3[%mul3A_2] : memref<327680xi32, #tpu.memory_space<hbm>> -> memref<10240xi32, #tpu.memory_space<hbm>>
      tpu.enqueue_dma source(%dma_start3A_32 : memref<10240xi32, #tpu.memory_space<hbm>>) target(%arg8 : memref<10240xi32, #tpu.memory_space<vmem>>) target_semaphore(%run_scoped3A : memref<!tpu.dma_semaphore, #tpu.memory_space<semaphore_mem>>)
      %dma_wait3A = tpu.memref_slice %arg3[%mul3A_2] : memref<327680xi32, #tpu.memory_space<hbm>> -> memref<10240xi32, #tpu.memory_space<hbm>>
      %dma_wait3A_33 = tpu.memref_slice %arg3[%mul3A_2] : memref<327680xi32, #tpu.memory_space<hbm>> -> memref<10240xi32, #tpu.memory_space<hbm>>
      tpu.wait_dma2 semaphore(%run_scoped3A : memref<!tpu.dma_semaphore, #tpu.memory_space<semaphore_mem>>) src(%dma_wait3A_33 : memref<10240xi32, #tpu.memory_space<hbm>>) dst(%arg8 : memref<10240xi32, #tpu.memory_space<vmem>>)
      tpu.yield
    }) : () -> ()
    %mul3A_3 = arith.constant 160 : i32
    %mul3A_4 = arith.muli %add3A, %mul3A_3 : i32
    "tpu.region"() ({
      %run_scoped3A = tpu.sem_alloc : memref<!tpu.dma_semaphore, #tpu.memory_space<semaphore_mem>>
      %dma_start3A_31 = arith.constant 0 : i32
      %dma_start3A_32 = tpu.memref_slice %arg4[%mul3A_4, %dma_start3A_31] : memref<5120x64xi32, #tpu.memory_space<hbm>> -> memref<160x64xi32, #tpu.memory_space<hbm>>
      %dma_start3A_33 = arith.constant 0 : i32
      %dma_start3A_34 = tpu.memref_slice %arg4[%mul3A_4, %dma_start3A_33] : memref<5120x64xi32, #tpu.memory_space<hbm>> -> memref<160x64xi32, #tpu.memory_space<hbm>>
      tpu.enqueue_dma source(%dma_start3A_34 : memref<160x64xi32, #tpu.memory_space<hbm>>) target(%arg9 : memref<160x64xi32, #tpu.memory_space<vmem>>) target_semaphore(%run_scoped3A : memref<!tpu.dma_semaphore, #tpu.memory_space<semaphore_mem>>)
      %dma_wait3A = arith.constant 0 : i32
      %dma_wait3A_35 = tpu.memref_slice %arg4[%mul3A_4, %dma_wait3A] : memref<5120x64xi32, #tpu.memory_space<hbm>> -> memref<160x64xi32, #tpu.memory_space<hbm>>
      %dma_wait3A_36 = arith.constant 0 : i32
      %dma_wait3A_37 = tpu.memref_slice %arg4[%mul3A_4, %dma_wait3A_36] : memref<5120x64xi32, #tpu.memory_space<hbm>> -> memref<160x64xi32, #tpu.memory_space<hbm>>
      tpu.wait_dma2 semaphore(%run_scoped3A : memref<!tpu.dma_semaphore, #tpu.memory_space<semaphore_mem>>) src(%dma_wait3A_37 : memref<160x64xi32, #tpu.memory_space<hbm>>) dst(%arg9 : memref<160x64xi32, #tpu.memory_space<vmem>>)
      tpu.yield
    }) : () -> ()
    %mul3A_5 = arith.constant 632 : i32
    %mul3A_6 = arith.muli %arg1, %mul3A_5 : i32
    %mul3A_7 = arith.constant 632 : i32
    %mul3A_8 = arith.muli %arg1, %mul3A_7 : i32
    "tpu.region"() ({
      %run_scoped3A = tpu.sem_alloc : memref<!tpu.dma_semaphore, #tpu.memory_space<semaphore_mem>>
      %dma_start3A_31 = arith.constant 0 : i32
      %dma_start3A_32 = tpu.memref_slice %arg7[%mul3A_8, %dma_start3A_31] : memref<10112x128xf32, #tpu.memory_space<vmem_shared>> -> memref<632x128xf32, #tpu.memory_space<vmem_shared>>
      %dma_start3A_33 = arith.constant 0 : i32
      %dma_start3A_34 = tpu.memref_slice %arg5[%mul3A_6, %dma_start3A_33] : memref<10112x128xf32, #tpu.memory_space<hbm>> -> memref<632x128xf32, #tpu.memory_space<hbm>>
      tpu.enqueue_dma source(%dma_start3A_34 : memref<632x128xf32, #tpu.memory_space<hbm>>) target(%dma_start3A_32 : memref<632x128xf32, #tpu.memory_space<vmem_shared>>) target_semaphore(%run_scoped3A : memref<!tpu.dma_semaphore, #tpu.memory_space<semaphore_mem>>)
      %dma_wait3A = arith.constant 0 : i32
      %dma_wait3A_35 = tpu.memref_slice %arg7[%mul3A_8, %dma_wait3A] : memref<10112x128xf32, #tpu.memory_space<vmem_shared>> -> memref<632x128xf32, #tpu.memory_space<vmem_shared>>
      %dma_wait3A_36 = arith.constant 0 : i32
      %dma_wait3A_37 = tpu.memref_slice %arg5[%mul3A_6, %dma_wait3A_36] : memref<10112x128xf32, #tpu.memory_space<hbm>> -> memref<632x128xf32, #tpu.memory_space<hbm>>
      tpu.wait_dma2 semaphore(%run_scoped3A : memref<!tpu.dma_semaphore, #tpu.memory_space<semaphore_mem>>) src(%dma_wait3A_37 : memref<632x128xf32, #tpu.memory_space<hbm>>) dst(%dma_wait3A_35 : memref<632x128xf32, #tpu.memory_space<vmem_shared>>)
      tpu.yield
    }) : () -> ()
    %barrier3A = arith.constant 0 : index
    tpu.barrier barrier_id(%barrier3A)
    %multiple_of3A = arith.constant 0 : i32
    %multiple_of3A_9 = tpu.assume_multiple %multiple_of3A, 64 : i32
    %dma_start3A = tpu.memref_slice %arg8[%multiple_of3A_9] : memref<10240xi32, #tpu.memory_space<vmem>> -> memref<64xi32, #tpu.memory_space<vmem>>
    %dma_start3A_10 = arith.constant 0 : i32
    %dma_start3A_11 = arith.constant 0 : i32
    %dma_start3A_12 = tpu.memref_slice %arg2[%dma_start3A_10, %dma_start3A_11] : memref<10000x128xf32, #tpu.memory_space<hbm>> -> memref<10000x128xf32, #tpu.memory_space<hbm>>
    tpu.enqueue_indirect_dma source(%dma_start3A_12 : memref<10000x128xf32, #tpu.memory_space<hbm>>) target(%arg10 : memref<64x128xf32, #tpu.memory_space<vmem>>) offsets(%dma_start3A : memref<64xi32, #tpu.memory_space<vmem>>) semaphore(%arg12 : memref<!tpu.dma_semaphore, #tpu.memory_space<semaphore_mem>>)
    %multiple_of3A_13 = arith.constant 64 : i32
    %multiple_of3A_14 = tpu.assume_multiple %multiple_of3A_13, 64 : i32
    %dma_start3A_15 = tpu.memref_slice %arg8[%multiple_of3A_14] : memref<10240xi32, #tpu.memory_space<vmem>> -> memref<64xi32, #tpu.memory_space<vmem>>
    %dma_start3A_16 = arith.constant 0 : i32
    %dma_start3A_17 = arith.constant 0 : i32
    %dma_start3A_18 = tpu.memref_slice %arg2[%dma_start3A_16, %dma_start3A_17] : memref<10000x128xf32, #tpu.memory_space<hbm>> -> memref<10000x128xf32, #tpu.memory_space<hbm>>
    tpu.enqueue_indirect_dma source(%dma_start3A_18 : memref<10000x128xf32, #tpu.memory_space<hbm>>) target(%arg11 : memref<64x128xf32, #tpu.memory_space<vmem>>) offsets(%dma_start3A_15 : memref<64xi32, #tpu.memory_space<vmem>>) semaphore(%arg13 : memref<!tpu.dma_semaphore, #tpu.memory_space<semaphore_mem>>)
    %scan3A = arith.constant 0 : i32
    %scan3A_19 = arith.constant 0 : i32
    %scan3A_20 = arith.constant 80 : i32
    %scan3A_21 = arith.addi %scan3A_19, %scan3A_20 : i32
    %scan3A_22 = arith.constant 1 : i32
    scf.for %scan3A_31 = %scan3A_19 to %scan3A_21 step %scan3A_22  : i32 {
      %mul3A_32 = arith.constant 2 : i32
      %mul3A_33 = arith.muli %scan3A_31, %mul3A_32 : i32
      %add3A_34 = arith.constant 0 : i32
      %add3A_35 = arith.addi %mul3A_33, %add3A_34 : i32
      %mul3A_36 = arith.constant 64 : i32
      %mul3A_37 = arith.muli %add3A_35, %mul3A_36 : i32
      %multiple_of3A_38 = tpu.assume_multiple %mul3A_37, 64 : i32
      %dma_wait3A = tpu.memref_slice %arg8[%multiple_of3A_38] : memref<10240xi32, #tpu.memory_space<vmem>> -> memref<64xi32, #tpu.memory_space<vmem>>
      %dma_wait3A_39 = arith.constant 0 : i32
      %dma_wait3A_40 = arith.constant 0 : i32
      %dma_wait3A_41 = tpu.memref_slice %arg2[%dma_wait3A_39, %dma_wait3A_40] : memref<10000x128xf32, #tpu.memory_space<hbm>> -> memref<10000x128xf32, #tpu.memory_space<hbm>>
      tpu.wait_indirect_dma semaphore(%arg12 : memref<!tpu.dma_semaphore, #tpu.memory_space<semaphore_mem>>) src(%dma_wait3A_41 : memref<10000x128xf32, #tpu.memory_space<hbm>>) dst(%arg10 : memref<64x128xf32, #tpu.memory_space<vmem>>)
      "tpu.region"() ({
        %run_scoped3A = tpu.sem_alloc : memref<!tpu.dma_semaphore, #tpu.memory_space<semaphore_mem>>
        %dma_start3A_67 = arith.constant 0 : i32
        %dma_start3A_68 = tpu.memref_slice %arg9[%add3A_35, %dma_start3A_67] : memref<160x64xi32, #tpu.memory_space<vmem>> -> memref<1x64xi32, #tpu.memory_space<vmem>>
        %dma_start3A_69 = tpu.memref_squeeze %dma_start3A_68 : memref<1x64xi32, #tpu.memory_space<vmem>> -> memref<64xi32, #tpu.memory_space<vmem>>
        %dma_start3A_70 = arith.constant 0 : i32
        %dma_start3A_71 = arith.constant 0 : i32
        %dma_start3A_72 = tpu.memref_slice %arg7[%dma_start3A_70, %dma_start3A_71] : memref<10112x128xf32, #tpu.memory_space<vmem_shared>> -> memref<10112x128xf32, #tpu.memory_space<vmem_shared>>
        tpu.enqueue_indirect_dma source(%arg10 : memref<64x128xf32, #tpu.memory_space<vmem>>) target(%dma_start3A_72 : memref<10112x128xf32, #tpu.memory_space<vmem_shared>>) offsets(%dma_start3A_69 : memref<64xi32, #tpu.memory_space<vmem>>) semaphore(%run_scoped3A : memref<!tpu.dma_semaphore, #tpu.memory_space<semaphore_mem>>) {add = true}
        %dma_wait3A_73 = arith.constant 0 : i32
        %dma_wait3A_74 = tpu.memref_slice %arg9[%add3A_35, %dma_wait3A_73] : memref<160x64xi32, #tpu.memory_space<vmem>> -> memref<1x64xi32, #tpu.memory_space<vmem>>
        %dma_wait3A_75 = tpu.memref_squeeze %dma_wait3A_74 : memref<1x64xi32, #tpu.memory_space<vmem>> -> memref<64xi32, #tpu.memory_space<vmem>>
        %dma_wait3A_76 = arith.constant 0 : i32
        %dma_wait3A_77 = arith.constant 0 : i32
        %dma_wait3A_78 = tpu.memref_slice %arg7[%dma_wait3A_76, %dma_wait3A_77] : memref<10112x128xf32, #tpu.memory_space<vmem_shared>> -> memref<10112x128xf32, #tpu.memory_space<vmem_shared>>
        tpu.wait_indirect_dma semaphore(%run_scoped3A : memref<!tpu.dma_semaphore, #tpu.memory_space<semaphore_mem>>) src(%arg10 : memref<64x128xf32, #tpu.memory_space<vmem>>) dst(%dma_wait3A_78 : memref<10112x128xf32, #tpu.memory_space<vmem_shared>>)
        tpu.yield
      }) : () -> ()
      %add3A_42 = arith.constant 2 : i32
      %add3A_43 = arith.addi %add3A_35, %add3A_42 : i32
      %lt3A_44 = arith.constant 160 : i32
      %lt3A_45 = arith.cmpi slt, %add3A_43, %lt3A_44 : i32
      %convert_element_type3A_46 = arith.extui %lt3A_45 : i1 to i32
      %cond3A_47 = arith.constant 0 : i32
      %cond3A_48 = arith.cmpi ne, %convert_element_type3A_46, %cond3A_47 : i32
      scf.if %cond3A_48 {
        %add3A_67 = arith.constant 2 : i32
        %add3A_68 = arith.addi %add3A_35, %add3A_67 : i32
        %mul3A_69 = arith.constant 64 : i32
        %mul3A_70 = arith.muli %add3A_68, %mul3A_69 : i32
        %multiple_of3A_71 = tpu.assume_multiple %mul3A_70, 64 : i32
        %dma_start3A_72 = tpu.memref_slice %arg8[%multiple_of3A_71] : memref<10240xi32, #tpu.memory_space<vmem>> -> memref<64xi32, #tpu.memory_space<vmem>>
        %dma_start3A_73 = arith.constant 0 : i32
        %dma_start3A_74 = arith.constant 0 : i32
        %dma_start3A_75 = tpu.memref_slice %arg2[%dma_start3A_73, %dma_start3A_74] : memref<10000x128xf32, #tpu.memory_space<hbm>> -> memref<10000x128xf32, #tpu.memory_space<hbm>>
        tpu.enqueue_indirect_dma source(%dma_start3A_75 : memref<10000x128xf32, #tpu.memory_space<hbm>>) target(%arg10 : memref<64x128xf32, #tpu.memory_space<vmem>>) offsets(%dma_start3A_72 : memref<64xi32, #tpu.memory_space<vmem>>) semaphore(%arg12 : memref<!tpu.dma_semaphore, #tpu.memory_space<semaphore_mem>>)
      } else {
      }
      %mul3A_49 = arith.constant 2 : i32
      %mul3A_50 = arith.muli %scan3A_31, %mul3A_49 : i32
      %add3A_51 = arith.constant 1 : i32
      %add3A_52 = arith.addi %mul3A_50, %add3A_51 : i32
      %mul3A_53 = arith.constant 64 : i32
      %mul3A_54 = arith.muli %add3A_52, %mul3A_53 : i32
      %multiple_of3A_55 = tpu.assume_multiple %mul3A_54, 64 : i32
      %dma_wait3A_56 = tpu.memref_slice %arg8[%multiple_of3A_55] : memref<10240xi32, #tpu.memory_space<vmem>> -> memref<64xi32, #tpu.memory_space<vmem>>
      %dma_wait3A_57 = arith.constant 0 : i32
      %dma_wait3A_58 = arith.constant 0 : i32
      %dma_wait3A_59 = tpu.memref_slice %arg2[%dma_wait3A_57, %dma_wait3A_58] : memref<10000x128xf32, #tpu.memory_space<hbm>> -> memref<10000x128xf32, #tpu.memory_space<hbm>>
      tpu.wait_indirect_dma semaphore(%arg13 : memref<!tpu.dma_semaphore, #tpu.memory_space<semaphore_mem>>) src(%dma_wait3A_59 : memref<10000x128xf32, #tpu.memory_space<hbm>>) dst(%arg11 : memref<64x128xf32, #tpu.memory_space<vmem>>)
      "tpu.region"() ({
        %run_scoped3A = tpu.sem_alloc : memref<!tpu.dma_semaphore, #tpu.memory_space<semaphore_mem>>
        %dma_start3A_67 = arith.constant 0 : i32
        %dma_start3A_68 = tpu.memref_slice %arg9[%add3A_52, %dma_start3A_67] : memref<160x64xi32, #tpu.memory_space<vmem>> -> memref<1x64xi32, #tpu.memory_space<vmem>>
        %dma_start3A_69 = tpu.memref_squeeze %dma_start3A_68 : memref<1x64xi32, #tpu.memory_space<vmem>> -> memref<64xi32, #tpu.memory_space<vmem>>
        %dma_start3A_70 = arith.constant 0 : i32
        %dma_start3A_71 = arith.constant 0 : i32
        %dma_start3A_72 = tpu.memref_slice %arg7[%dma_start3A_70, %dma_start3A_71] : memref<10112x128xf32, #tpu.memory_space<vmem_shared>> -> memref<10112x128xf32, #tpu.memory_space<vmem_shared>>
        tpu.enqueue_indirect_dma source(%arg11 : memref<64x128xf32, #tpu.memory_space<vmem>>) target(%dma_start3A_72 : memref<10112x128xf32, #tpu.memory_space<vmem_shared>>) offsets(%dma_start3A_69 : memref<64xi32, #tpu.memory_space<vmem>>) semaphore(%run_scoped3A : memref<!tpu.dma_semaphore, #tpu.memory_space<semaphore_mem>>) {add = true}
        %dma_wait3A_73 = arith.constant 0 : i32
        %dma_wait3A_74 = tpu.memref_slice %arg9[%add3A_52, %dma_wait3A_73] : memref<160x64xi32, #tpu.memory_space<vmem>> -> memref<1x64xi32, #tpu.memory_space<vmem>>
        %dma_wait3A_75 = tpu.memref_squeeze %dma_wait3A_74 : memref<1x64xi32, #tpu.memory_space<vmem>> -> memref<64xi32, #tpu.memory_space<vmem>>
        %dma_wait3A_76 = arith.constant 0 : i32
        %dma_wait3A_77 = arith.constant 0 : i32
        %dma_wait3A_78 = tpu.memref_slice %arg7[%dma_wait3A_76, %dma_wait3A_77] : memref<10112x128xf32, #tpu.memory_space<vmem_shared>> -> memref<10112x128xf32, #tpu.memory_space<vmem_shared>>
        tpu.wait_indirect_dma semaphore(%run_scoped3A : memref<!tpu.dma_semaphore, #tpu.memory_space<semaphore_mem>>) src(%arg11 : memref<64x128xf32, #tpu.memory_space<vmem>>) dst(%dma_wait3A_78 : memref<10112x128xf32, #tpu.memory_space<vmem_shared>>)
        tpu.yield
      }) : () -> ()
      %add3A_60 = arith.constant 2 : i32
      %add3A_61 = arith.addi %add3A_52, %add3A_60 : i32
      %lt3A_62 = arith.constant 160 : i32
      %lt3A_63 = arith.cmpi slt, %add3A_61, %lt3A_62 : i32
      %convert_element_type3A_64 = arith.extui %lt3A_63 : i1 to i32
      %cond3A_65 = arith.constant 0 : i32
      %cond3A_66 = arith.cmpi ne, %convert_element_type3A_64, %cond3A_65 : i32
      scf.if %cond3A_66 {
        %add3A_67 = arith.constant 2 : i32
        %add3A_68 = arith.addi %add3A_52, %add3A_67 : i32
        %mul3A_69 = arith.constant 64 : i32
        %mul3A_70 = arith.muli %add3A_68, %mul3A_69 : i32
        %multiple_of3A_71 = tpu.assume_multiple %mul3A_70, 64 : i32
        %dma_start3A_72 = tpu.memref_slice %arg8[%multiple_of3A_71] : memref<10240xi32, #tpu.memory_space<vmem>> -> memref<64xi32, #tpu.memory_space<vmem>>
        %dma_start3A_73 = arith.constant 0 : i32
        %dma_start3A_74 = arith.constant 0 : i32
        %dma_start3A_75 = tpu.memref_slice %arg2[%dma_start3A_73, %dma_start3A_74] : memref<10000x128xf32, #tpu.memory_space<hbm>> -> memref<10000x128xf32, #tpu.memory_space<hbm>>
        tpu.enqueue_indirect_dma source(%dma_start3A_75 : memref<10000x128xf32, #tpu.memory_space<hbm>>) target(%arg11 : memref<64x128xf32, #tpu.memory_space<vmem>>) offsets(%dma_start3A_72 : memref<64xi32, #tpu.memory_space<vmem>>) semaphore(%arg13 : memref<!tpu.dma_semaphore, #tpu.memory_space<semaphore_mem>>)
      } else {
      }
    }
    %scan3A_23 = arith.constant 80 : i32
    %barrier3A_24 = arith.constant 0 : index
    tpu.barrier barrier_id(%barrier3A_24)
    %lt3A = arith.constant 15 : i32
    %lt3A_25 = arith.cmpi slt, %arg1, %lt3A : i32
    %convert_element_type3A = arith.extui %lt3A_25 : i1 to i32
    %cond3A = arith.constant 0 : i32
    %cond3A_26 = arith.cmpi ne, %convert_element_type3A, %cond3A : i32
    scf.if %cond3A_26 {
      %mul3A_31 = arith.constant 632 : i32
      %mul3A_32 = arith.muli %arg1, %mul3A_31 : i32
      %mul3A_33 = arith.constant 632 : i32
      %mul3A_34 = arith.muli %arg1, %mul3A_33 : i32
      "tpu.region"() ({
        %run_scoped3A = tpu.sem_alloc : memref<!tpu.dma_semaphore, #tpu.memory_space<semaphore_mem>>
        %dma_start3A_35 = arith.constant 0 : i32
        %dma_start3A_36 = tpu.memref_slice %arg6[%arg0, %mul3A_34, %dma_start3A_35] : memref<2x10000x128xf32, #tpu.memory_space<hbm>> -> memref<1x632x128xf32, #tpu.memory_space<hbm>>
        %dma_start3A_37 = tpu.memref_squeeze %dma_start3A_36 : memref<1x632x128xf32, #tpu.memory_space<hbm>> -> memref<632x128xf32, #tpu.memory_space<hbm>>
        %dma_start3A_38 = arith.constant 0 : i32
        %dma_start3A_39 = tpu.memref_slice %arg7[%mul3A_32, %dma_start3A_38] : memref<10112x128xf32, #tpu.memory_space<vmem_shared>> -> memref<632x128xf32, #tpu.memory_space<vmem_shared>>
        tpu.enqueue_dma source(%dma_start3A_39 : memref<632x128xf32, #tpu.memory_space<vmem_shared>>) target(%dma_start3A_37 : memref<632x128xf32, #tpu.memory_space<hbm>>) target_semaphore(%run_scoped3A : memref<!tpu.dma_semaphore, #tpu.memory_space<semaphore_mem>>)
        %dma_wait3A = arith.constant 0 : i32
        %dma_wait3A_40 = tpu.memref_slice %arg6[%arg0, %mul3A_34, %dma_wait3A] : memref<2x10000x128xf32, #tpu.memory_space<hbm>> -> memref<1x632x128xf32, #tpu.memory_space<hbm>>
        %dma_wait3A_41 = tpu.memref_squeeze %dma_wait3A_40 : memref<1x632x128xf32, #tpu.memory_space<hbm>> -> memref<632x128xf32, #tpu.memory_space<hbm>>
        %dma_wait3A_42 = arith.constant 0 : i32
        %dma_wait3A_43 = tpu.memref_slice %arg7[%mul3A_32, %dma_wait3A_42] : memref<10112x128xf32, #tpu.memory_space<vmem_shared>> -> memref<632x128xf32, #tpu.memory_space<vmem_shared>>
        tpu.wait_dma2 semaphore(%run_scoped3A : memref<!tpu.dma_semaphore, #tpu.memory_space<semaphore_mem>>) src(%dma_wait3A_43 : memref<632x128xf32, #tpu.memory_space<vmem_shared>>) dst(%dma_wait3A_41 : memref<632x128xf32, #tpu.memory_space<hbm>>)
        tpu.yield
      }) : () -> ()
    } else {
    }
    %eq3A = arith.constant 15 : i32
    %eq3A_27 = arith.cmpi eq, %arg1, %eq3A : i32
    %convert_element_type3A_28 = arith.extui %eq3A_27 : i1 to i32
    %cond3A_29 = arith.constant 0 : i32
    %cond3A_30 = arith.cmpi ne, %convert_element_type3A_28, %cond3A_29 : i32
    scf.if %cond3A_30 {
      "tpu.region"() ({
        %run_scoped3A = tpu.sem_alloc : memref<!tpu.dma_semaphore, #tpu.memory_space<semaphore_mem>>
        %dma_start3A_31 = arith.constant 9480 : i32
        %dma_start3A_32 = arith.constant 0 : i32
        %dma_start3A_33 = tpu.memref_slice %arg6[%arg0, %dma_start3A_31, %dma_start3A_32] : memref<2x10000x128xf32, #tpu.memory_space<hbm>> -> memref<1x520x128xf32, #tpu.memory_space<hbm>>
        %dma_start3A_34 = tpu.memref_squeeze %dma_start3A_33 : memref<1x520x128xf32, #tpu.memory_space<hbm>> -> memref<520x128xf32, #tpu.memory_space<hbm>>
        %dma_start3A_35 = arith.constant 9480 : i32
        %dma_start3A_36 = arith.constant 0 : i32
        %dma_start3A_37 = tpu.memref_slice %arg7[%dma_start3A_35, %dma_start3A_36] : memref<10112x128xf32, #tpu.memory_space<vmem_shared>> -> memref<520x128xf32, #tpu.memory_space<vmem_shared>>
        tpu.enqueue_dma source(%dma_start3A_37 : memref<520x128xf32, #tpu.memory_space<vmem_shared>>) target(%dma_start3A_34 : memref<520x128xf32, #tpu.memory_space<hbm>>) target_semaphore(%run_scoped3A : memref<!tpu.dma_semaphore, #tpu.memory_space<semaphore_mem>>)
        %dma_wait3A = arith.constant 9480 : i32
        %dma_wait3A_38 = arith.constant 0 : i32
        %dma_wait3A_39 = tpu.memref_slice %arg6[%arg0, %dma_wait3A, %dma_wait3A_38] : memref<2x10000x128xf32, #tpu.memory_space<hbm>> -> memref<1x520x128xf32, #tpu.memory_space<hbm>>
        %dma_wait3A_40 = tpu.memref_squeeze %dma_wait3A_39 : memref<1x520x128xf32, #tpu.memory_space<hbm>> -> memref<520x128xf32, #tpu.memory_space<hbm>>
        %dma_wait3A_41 = arith.constant 9480 : i32
        %dma_wait3A_42 = arith.constant 0 : i32
        %dma_wait3A_43 = tpu.memref_slice %arg7[%dma_wait3A_41, %dma_wait3A_42] : memref<10112x128xf32, #tpu.memory_space<vmem_shared>> -> memref<520x128xf32, #tpu.memory_space<vmem_shared>>
        tpu.wait_dma2 semaphore(%run_scoped3A : memref<!tpu.dma_semaphore, #tpu.memory_space<semaphore_mem>>) src(%dma_wait3A_43 : memref<520x128xf32, #tpu.memory_space<vmem_shared>>) dst(%dma_wait3A_40 : memref<520x128xf32, #tpu.memory_space<hbm>>)
        tpu.yield
      }) : () -> ()
    } else {
    }
    return
  }
}

#map = affine_map<(d0, d1) -> (0, 0)>
#map1 = affine_map<(d0, d1) -> (0)>
#map2 = affine_map<(d0, d1) -> (0, 0, 0)>
module attributes {stable_mosaic.version = 14 : i64} {
  func.func @_mp_kernel(%arg0: i32, %arg1: i32, %arg2: memref<10000x128xf32, #tpu.memory_space<hbm>>, %arg3: memref<327680xi32, #tpu.memory_space<hbm>>, %arg4: memref<5120x64xi32, #tpu.memory_space<hbm>>, %arg5: memref<10112x128xf32, #tpu.memory_space<hbm>>, %arg6: memref<2x10000x128xf32, #tpu.memory_space<hbm>>, %arg7: memref<10112x128xf32, #tpu.memory_space<vmem_shared>>, %arg8: memref<10240xi32, #tpu.memory_space<vmem>>, %arg9: memref<160x64xi32, #tpu.memory_space<vmem>>, %arg10: memref<64x128xf32, #tpu.memory_space<vmem>>, %arg11: memref<64x128xf32, #tpu.memory_space<vmem>>, %arg12: memref<!tpu.dma_semaphore, #tpu.memory_space<semaphore_mem>>, %arg13: memref<!tpu.dma_semaphore, #tpu.memory_space<semaphore_mem>>) attributes {dimension_semantics = [#tpu.dimension_semantics<core_parallel>, #tpu.dimension_semantics<subcore_parallel>], iteration_bounds = array<i64: 2, 16>, scalar_prefetch = 0 : i64, scratch_operands = 7 : i64, tpu.core_type = #tpu.core_type<sc_vector_subcore>, window_params = [{transform_indices = #map}, {transform_indices = #map1}, {transform_indices = #map}, {transform_indices = #map}, {transform_indices = #map2}]} {
    %mul3A = arith.constant 16 : i32
    %mul3A_0 = arith.muli %arg0, %mul3A : i32
    %add3A = arith.addi %mul3A_0, %arg1 : i32
    %mul3A_1 = arith.constant 10240 : i32
    %mul3A_2 = arith.muli %add3A, %mul3A_1 : i32
    "tpu.region"() ({
      %run_scoped3A = tpu.sem_alloc : memref<!tpu.dma_semaphore, #tpu.memory_space<semaphore_mem>>
      %dma_start3A_31 = tpu.memref_slice %arg3[%mul3A_2] : memref<327680xi32, #tpu.memory_space<hbm>> -> memref<10240xi32, #tpu.memory_space<hbm>>
      %dma_start3A_32 = tpu.memref_slice %arg3[%mul3A_2] : memref<327680xi32, #tpu.memory_space<hbm>> -> memref<10240xi32, #tpu.memory_space<hbm>>
      tpu.enqueue_dma source(%dma_start3A_32 : memref<10240xi32, #tpu.memory_space<hbm>>) target(%arg8 : memref<10240xi32, #tpu.memory_space<vmem>>) target_semaphore(%run_scoped3A : memref<!tpu.dma_semaphore, #tpu.memory_space<semaphore_mem>>)
      %dma_wait3A = tpu.memref_slice %arg3[%mul3A_2] : memref<327680xi32, #tpu.memory_space<hbm>> -> memref<10240xi32, #tpu.memory_space<hbm>>
      %dma_wait3A_33 = tpu.memref_slice %arg3[%mul3A_2] : memref<327680xi32, #tpu.memory_space<hbm>> -> memref<10240xi32, #tpu.memory_space<hbm>>
      tpu.wait_dma2 semaphore(%run_scoped3A : memref<!tpu.dma_semaphore, #tpu.memory_space<semaphore_mem>>) src(%dma_wait3A_33 : memref<10240xi32, #tpu.memory_space<hbm>>) dst(%arg8 : memref<10240xi32, #tpu.memory_space<vmem>>)
      tpu.yield
    }) : () -> ()
    %mul3A_3 = arith.constant 160 : i32
    %mul3A_4 = arith.muli %add3A, %mul3A_3 : i32
    "tpu.region"() ({
      %run_scoped3A = tpu.sem_alloc : memref<!tpu.dma_semaphore, #tpu.memory_space<semaphore_mem>>
      %dma_start3A_31 = arith.constant 0 : i32
      %dma_start3A_32 = tpu.memref_slice %arg4[%mul3A_4, %dma_start3A_31] : memref<5120x64xi32, #tpu.memory_space<hbm>> -> memref<160x64xi32, #tpu.memory_space<hbm>>
      %dma_start3A_33 = arith.constant 0 : i32
      %dma_start3A_34 = tpu.memref_slice %arg4[%mul3A_4, %dma_start3A_33] : memref<5120x64xi32, #tpu.memory_space<hbm>> -> memref<160x64xi32, #tpu.memory_space<hbm>>
      tpu.enqueue_dma source(%dma_start3A_34 : memref<160x64xi32, #tpu.memory_space<hbm>>) target(%arg9 : memref<160x64xi32, #tpu.memory_space<vmem>>) target_semaphore(%run_scoped3A : memref<!tpu.dma_semaphore, #tpu.memory_space<semaphore_mem>>)
      %dma_wait3A = arith.constant 0 : i32
      %dma_wait3A_35 = tpu.memref_slice %arg4[%mul3A_4, %dma_wait3A] : memref<5120x64xi32, #tpu.memory_space<hbm>> -> memref<160x64xi32, #tpu.memory_space<hbm>>
      %dma_wait3A_36 = arith.constant 0 : i32
      %dma_wait3A_37 = tpu.memref_slice %arg4[%mul3A_4, %dma_wait3A_36] : memref<5120x64xi32, #tpu.memory_space<hbm>> -> memref<160x64xi32, #tpu.memory_space<hbm>>
      tpu.wait_dma2 semaphore(%run_scoped3A : memref<!tpu.dma_semaphore, #tpu.memory_space<semaphore_mem>>) src(%dma_wait3A_37 : memref<160x64xi32, #tpu.memory_space<hbm>>) dst(%arg9 : memref<160x64xi32, #tpu.memory_space<vmem>>)
      tpu.yield
    }) : () -> ()
    %mul3A_5 = arith.constant 632 : i32
    %mul3A_6 = arith.muli %arg1, %mul3A_5 : i32
    %mul3A_7 = arith.constant 632 : i32
    %mul3A_8 = arith.muli %arg1, %mul3A_7 : i32
    "tpu.region"() ({
      %run_scoped3A = tpu.sem_alloc : memref<!tpu.dma_semaphore, #tpu.memory_space<semaphore_mem>>
      %dma_start3A_31 = arith.constant 0 : i32
      %dma_start3A_32 = tpu.memref_slice %arg7[%mul3A_8, %dma_start3A_31] : memref<10112x128xf32, #tpu.memory_space<vmem_shared>> -> memref<632x128xf32, #tpu.memory_space<vmem_shared>>
      %dma_start3A_33 = arith.constant 0 : i32
      %dma_start3A_34 = tpu.memref_slice %arg5[%mul3A_6, %dma_start3A_33] : memref<10112x128xf32, #tpu.memory_space<hbm>> -> memref<632x128xf32, #tpu.memory_space<hbm>>
      tpu.enqueue_dma source(%dma_start3A_34 : memref<632x128xf32, #tpu.memory_space<hbm>>) target(%dma_start3A_32 : memref<632x128xf32, #tpu.memory_space<vmem_shared>>) target_semaphore(%run_scoped3A : memref<!tpu.dma_semaphore, #tpu.memory_space<semaphore_mem>>)
      %dma_wait3A = arith.constant 0 : i32
      %dma_wait3A_35 = tpu.memref_slice %arg7[%mul3A_8, %dma_wait3A] : memref<10112x128xf32, #tpu.memory_space<vmem_shared>> -> memref<632x128xf32, #tpu.memory_space<vmem_shared>>
      %dma_wait3A_36 = arith.constant 0 : i32
      %dma_wait3A_37 = tpu.memref_slice %arg5[%mul3A_6, %dma_wait3A_36] : memref<10112x128xf32, #tpu.memory_space<hbm>> -> memref<632x128xf32, #tpu.memory_space<hbm>>
      tpu.wait_dma2 semaphore(%run_scoped3A : memref<!tpu.dma_semaphore, #tpu.memory_space<semaphore_mem>>) src(%dma_wait3A_37 : memref<632x128xf32, #tpu.memory_space<hbm>>) dst(%dma_wait3A_35 : memref<632x128xf32, #tpu.memory_space<vmem_shared>>)
      tpu.yield
    }) : () -> ()
    %barrier3A = arith.constant 0 : index
    tpu.barrier barrier_id(%barrier3A)
    %multiple_of3A = arith.constant 0 : i32
    %multiple_of3A_9 = tpu.assume_multiple %multiple_of3A, 64 : i32
    %dma_start3A = tpu.memref_slice %arg8[%multiple_of3A_9] : memref<10240xi32, #tpu.memory_space<vmem>> -> memref<64xi32, #tpu.memory_space<vmem>>
    %dma_start3A_10 = arith.constant 0 : i32
    %dma_start3A_11 = arith.constant 0 : i32
    %dma_start3A_12 = tpu.memref_slice %arg2[%dma_start3A_10, %dma_start3A_11] : memref<10000x128xf32, #tpu.memory_space<hbm>> -> memref<10000x128xf32, #tpu.memory_space<hbm>>
    tpu.enqueue_indirect_dma source(%dma_start3A_12 : memref<10000x128xf32, #tpu.memory_space<hbm>>) target(%arg10 : memref<64x128xf32, #tpu.memory_space<vmem>>) offsets(%dma_start3A : memref<64xi32, #tpu.memory_space<vmem>>) semaphore(%arg12 : memref<!tpu.dma_semaphore, #tpu.memory_space<semaphore_mem>>)
    %multiple_of3A_13 = arith.constant 64 : i32
    %multiple_of3A_14 = tpu.assume_multiple %multiple_of3A_13, 64 : i32
    %dma_start3A_15 = tpu.memref_slice %arg8[%multiple_of3A_14] : memref<10240xi32, #tpu.memory_space<vmem>> -> memref<64xi32, #tpu.memory_space<vmem>>
    %dma_start3A_16 = arith.constant 0 : i32
    %dma_start3A_17 = arith.constant 0 : i32
    %dma_start3A_18 = tpu.memref_slice %arg2[%dma_start3A_16, %dma_start3A_17] : memref<10000x128xf32, #tpu.memory_space<hbm>> -> memref<10000x128xf32, #tpu.memory_space<hbm>>
    tpu.enqueue_indirect_dma source(%dma_start3A_18 : memref<10000x128xf32, #tpu.memory_space<hbm>>) target(%arg11 : memref<64x128xf32, #tpu.memory_space<vmem>>) offsets(%dma_start3A_15 : memref<64xi32, #tpu.memory_space<vmem>>) semaphore(%arg13 : memref<!tpu.dma_semaphore, #tpu.memory_space<semaphore_mem>>)
    %scan3A = arith.constant 0 : i32
    %scan3A_19 = arith.constant 0 : i32
    %scan3A_20 = arith.constant 80 : i32
    %scan3A_21 = arith.addi %scan3A_19, %scan3A_20 : i32
    %scan3A_22 = arith.constant 1 : i32
    scf.for %scan3A_31 = %scan3A_19 to %scan3A_21 step %scan3A_22  : i32 {
      %mul3A_32 = arith.constant 2 : i32
      %mul3A_33 = arith.muli %scan3A_31, %mul3A_32 : i32
      %add3A_34 = arith.constant 0 : i32
      %add3A_35 = arith.addi %mul3A_33, %add3A_34 : i32
      %mul3A_36 = arith.constant 64 : i32
      %mul3A_37 = arith.muli %add3A_35, %mul3A_36 : i32
      %multiple_of3A_38 = tpu.assume_multiple %mul3A_37, 64 : i32
      %dma_wait3A = tpu.memref_slice %arg8[%multiple_of3A_38] : memref<10240xi32, #tpu.memory_space<vmem>> -> memref<64xi32, #tpu.memory_space<vmem>>
      %dma_wait3A_39 = arith.constant 0 : i32
      %dma_wait3A_40 = arith.constant 0 : i32
      %dma_wait3A_41 = tpu.memref_slice %arg2[%dma_wait3A_39, %dma_wait3A_40] : memref<10000x128xf32, #tpu.memory_space<hbm>> -> memref<10000x128xf32, #tpu.memory_space<hbm>>
      tpu.wait_indirect_dma semaphore(%arg12 : memref<!tpu.dma_semaphore, #tpu.memory_space<semaphore_mem>>) src(%dma_wait3A_41 : memref<10000x128xf32, #tpu.memory_space<hbm>>) dst(%arg10 : memref<64x128xf32, #tpu.memory_space<vmem>>)
      "tpu.region"() ({
        %run_scoped3A = tpu.sem_alloc : memref<!tpu.dma_semaphore, #tpu.memory_space<semaphore_mem>>
        %dma_start3A_67 = arith.constant 0 : i32
        %dma_start3A_68 = tpu.memref_slice %arg9[%add3A_35, %dma_start3A_67] : memref<160x64xi32, #tpu.memory_space<vmem>> -> memref<1x64xi32, #tpu.memory_space<vmem>>
        %dma_start3A_69 = tpu.memref_squeeze %dma_start3A_68 : memref<1x64xi32, #tpu.memory_space<vmem>> -> memref<64xi32, #tpu.memory_space<vmem>>
        %dma_start3A_70 = arith.constant 0 : i32
        %dma_start3A_71 = arith.constant 0 : i32
        %dma_start3A_72 = tpu.memref_slice %arg7[%dma_start3A_70, %dma_start3A_71] : memref<10112x128xf32, #tpu.memory_space<vmem_shared>> -> memref<10112x128xf32, #tpu.memory_space<vmem_shared>>
        tpu.enqueue_indirect_dma source(%arg10 : memref<64x128xf32, #tpu.memory_space<vmem>>) target(%dma_start3A_72 : memref<10112x128xf32, #tpu.memory_space<vmem_shared>>) offsets(%dma_start3A_69 : memref<64xi32, #tpu.memory_space<vmem>>) semaphore(%run_scoped3A : memref<!tpu.dma_semaphore, #tpu.memory_space<semaphore_mem>>) {add = true}
        %dma_wait3A_73 = arith.constant 0 : i32
        %dma_wait3A_74 = tpu.memref_slice %arg9[%add3A_35, %dma_wait3A_73] : memref<160x64xi32, #tpu.memory_space<vmem>> -> memref<1x64xi32, #tpu.memory_space<vmem>>
        %dma_wait3A_75 = tpu.memref_squeeze %dma_wait3A_74 : memref<1x64xi32, #tpu.memory_space<vmem>> -> memref<64xi32, #tpu.memory_space<vmem>>
        %dma_wait3A_76 = arith.constant 0 : i32
        %dma_wait3A_77 = arith.constant 0 : i32
        %dma_wait3A_78 = tpu.memref_slice %arg7[%dma_wait3A_76, %dma_wait3A_77] : memref<10112x128xf32, #tpu.memory_space<vmem_shared>> -> memref<10112x128xf32, #tpu.memory_space<vmem_shared>>
        tpu.wait_indirect_dma semaphore(%run_scoped3A : memref<!tpu.dma_semaphore, #tpu.memory_space<semaphore_mem>>) src(%arg10 : memref<64x128xf32, #tpu.memory_space<vmem>>) dst(%dma_wait3A_78 : memref<10112x128xf32, #tpu.memory_space<vmem_shared>>)
        tpu.yield
      }) : () -> ()
      %add3A_42 = arith.constant 2 : i32
      %add3A_43 = arith.addi %add3A_35, %add3A_42 : i32
      %lt3A_44 = arith.constant 160 : i32
      %lt3A_45 = arith.cmpi slt, %add3A_43, %lt3A_44 : i32
      %convert_element_type3A_46 = arith.extui %lt3A_45 : i1 to i32
      %cond3A_47 = arith.constant 0 : i32
      %cond3A_48 = arith.cmpi ne, %convert_element_type3A_46, %cond3A_47 : i32
      scf.if %cond3A_48 {
        %add3A_67 = arith.constant 2 : i32
        %add3A_68 = arith.addi %add3A_35, %add3A_67 : i32
        %mul3A_69 = arith.constant 64 : i32
        %mul3A_70 = arith.muli %add3A_68, %mul3A_69 : i32
        %multiple_of3A_71 = tpu.assume_multiple %mul3A_70, 64 : i32
        %dma_start3A_72 = tpu.memref_slice %arg8[%multiple_of3A_71] : memref<10240xi32, #tpu.memory_space<vmem>> -> memref<64xi32, #tpu.memory_space<vmem>>
        %dma_start3A_73 = arith.constant 0 : i32
        %dma_start3A_74 = arith.constant 0 : i32
        %dma_start3A_75 = tpu.memref_slice %arg2[%dma_start3A_73, %dma_start3A_74] : memref<10000x128xf32, #tpu.memory_space<hbm>> -> memref<10000x128xf32, #tpu.memory_space<hbm>>
        tpu.enqueue_indirect_dma source(%dma_start3A_75 : memref<10000x128xf32, #tpu.memory_space<hbm>>) target(%arg10 : memref<64x128xf32, #tpu.memory_space<vmem>>) offsets(%dma_start3A_72 : memref<64xi32, #tpu.memory_space<vmem>>) semaphore(%arg12 : memref<!tpu.dma_semaphore, #tpu.memory_space<semaphore_mem>>)
      } else {
      }
      %mul3A_49 = arith.constant 2 : i32
      %mul3A_50 = arith.muli %scan3A_31, %mul3A_49 : i32
      %add3A_51 = arith.constant 1 : i32
      %add3A_52 = arith.addi %mul3A_50, %add3A_51 : i32
      %mul3A_53 = arith.constant 64 : i32
      %mul3A_54 = arith.muli %add3A_52, %mul3A_53 : i32
      %multiple_of3A_55 = tpu.assume_multiple %mul3A_54, 64 : i32
      %dma_wait3A_56 = tpu.memref_slice %arg8[%multiple_of3A_55] : memref<10240xi32, #tpu.memory_space<vmem>> -> memref<64xi32, #tpu.memory_space<vmem>>
      %dma_wait3A_57 = arith.constant 0 : i32
      %dma_wait3A_58 = arith.constant 0 : i32
      %dma_wait3A_59 = tpu.memref_slice %arg2[%dma_wait3A_57, %dma_wait3A_58] : memref<10000x128xf32, #tpu.memory_space<hbm>> -> memref<10000x128xf32, #tpu.memory_space<hbm>>
      tpu.wait_indirect_dma semaphore(%arg13 : memref<!tpu.dma_semaphore, #tpu.memory_space<semaphore_mem>>) src(%dma_wait3A_59 : memref<10000x128xf32, #tpu.memory_space<hbm>>) dst(%arg11 : memref<64x128xf32, #tpu.memory_space<vmem>>)
      "tpu.region"() ({
        %run_scoped3A = tpu.sem_alloc : memref<!tpu.dma_semaphore, #tpu.memory_space<semaphore_mem>>
        %dma_start3A_67 = arith.constant 0 : i32
        %dma_start3A_68 = tpu.memref_slice %arg9[%add3A_52, %dma_start3A_67] : memref<160x64xi32, #tpu.memory_space<vmem>> -> memref<1x64xi32, #tpu.memory_space<vmem>>
        %dma_start3A_69 = tpu.memref_squeeze %dma_start3A_68 : memref<1x64xi32, #tpu.memory_space<vmem>> -> memref<64xi32, #tpu.memory_space<vmem>>
        %dma_start3A_70 = arith.constant 0 : i32
        %dma_start3A_71 = arith.constant 0 : i32
        %dma_start3A_72 = tpu.memref_slice %arg7[%dma_start3A_70, %dma_start3A_71] : memref<10112x128xf32, #tpu.memory_space<vmem_shared>> -> memref<10112x128xf32, #tpu.memory_space<vmem_shared>>
        tpu.enqueue_indirect_dma source(%arg11 : memref<64x128xf32, #tpu.memory_space<vmem>>) target(%dma_start3A_72 : memref<10112x128xf32, #tpu.memory_space<vmem_shared>>) offsets(%dma_start3A_69 : memref<64xi32, #tpu.memory_space<vmem>>) semaphore(%run_scoped3A : memref<!tpu.dma_semaphore, #tpu.memory_space<semaphore_mem>>) {add = true}
        %dma_wait3A_73 = arith.constant 0 : i32
        %dma_wait3A_74 = tpu.memref_slice %arg9[%add3A_52, %dma_wait3A_73] : memref<160x64xi32, #tpu.memory_space<vmem>> -> memref<1x64xi32, #tpu.memory_space<vmem>>
        %dma_wait3A_75 = tpu.memref_squeeze %dma_wait3A_74 : memref<1x64xi32, #tpu.memory_space<vmem>> -> memref<64xi32, #tpu.memory_space<vmem>>
        %dma_wait3A_76 = arith.constant 0 : i32
        %dma_wait3A_77 = arith.constant 0 : i32
        %dma_wait3A_78 = tpu.memref_slice %arg7[%dma_wait3A_76, %dma_wait3A_77] : memref<10112x128xf32, #tpu.memory_space<vmem_shared>> -> memref<10112x128xf32, #tpu.memory_space<vmem_shared>>
        tpu.wait_indirect_dma semaphore(%run_scoped3A : memref<!tpu.dma_semaphore, #tpu.memory_space<semaphore_mem>>) src(%arg11 : memref<64x128xf32, #tpu.memory_space<vmem>>) dst(%dma_wait3A_78 : memref<10112x128xf32, #tpu.memory_space<vmem_shared>>)
        tpu.yield
      }) : () -> ()
      %add3A_60 = arith.constant 2 : i32
      %add3A_61 = arith.addi %add3A_52, %add3A_60 : i32
      %lt3A_62 = arith.constant 160 : i32
      %lt3A_63 = arith.cmpi slt, %add3A_61, %lt3A_62 : i32
      %convert_element_type3A_64 = arith.extui %lt3A_63 : i1 to i32
      %cond3A_65 = arith.constant 0 : i32
      %cond3A_66 = arith.cmpi ne, %convert_element_type3A_64, %cond3A_65 : i32
      scf.if %cond3A_66 {
        %add3A_67 = arith.constant 2 : i32
        %add3A_68 = arith.addi %add3A_52, %add3A_67 : i32
        %mul3A_69 = arith.constant 64 : i32
        %mul3A_70 = arith.muli %add3A_68, %mul3A_69 : i32
        %multiple_of3A_71 = tpu.assume_multiple %mul3A_70, 64 : i32
        %dma_start3A_72 = tpu.memref_slice %arg8[%multiple_of3A_71] : memref<10240xi32, #tpu.memory_space<vmem>> -> memref<64xi32, #tpu.memory_space<vmem>>
        %dma_start3A_73 = arith.constant 0 : i32
        %dma_start3A_74 = arith.constant 0 : i32
        %dma_start3A_75 = tpu.memref_slice %arg2[%dma_start3A_73, %dma_start3A_74] : memref<10000x128xf32, #tpu.memory_space<hbm>> -> memref<10000x128xf32, #tpu.memory_space<hbm>>
        tpu.enqueue_indirect_dma source(%dma_start3A_75 : memref<10000x128xf32, #tpu.memory_space<hbm>>) target(%arg11 : memref<64x128xf32, #tpu.memory_space<vmem>>) offsets(%dma_start3A_72 : memref<64xi32, #tpu.memory_space<vmem>>) semaphore(%arg13 : memref<!tpu.dma_semaphore, #tpu.memory_space<semaphore_mem>>)
      } else {
      }
    }
    %scan3A_23 = arith.constant 80 : i32
    %barrier3A_24 = arith.constant 0 : index
    tpu.barrier barrier_id(%barrier3A_24)
    %lt3A = arith.constant 15 : i32
    %lt3A_25 = arith.cmpi slt, %arg1, %lt3A : i32
    %convert_element_type3A = arith.extui %lt3A_25 : i1 to i32
    %cond3A = arith.constant 0 : i32
    %cond3A_26 = arith.cmpi ne, %convert_element_type3A, %cond3A : i32
    scf.if %cond3A_26 {
      %mul3A_31 = arith.constant 632 : i32
      %mul3A_32 = arith.muli %arg1, %mul3A_31 : i32
      %mul3A_33 = arith.constant 632 : i32
      %mul3A_34 = arith.muli %arg1, %mul3A_33 : i32
      "tpu.region"() ({
        %run_scoped3A = tpu.sem_alloc : memref<!tpu.dma_semaphore, #tpu.memory_space<semaphore_mem>>
        %dma_start3A_35 = arith.constant 0 : i32
        %dma_start3A_36 = tpu.memref_slice %arg6[%arg0, %mul3A_34, %dma_start3A_35] : memref<2x10000x128xf32, #tpu.memory_space<hbm>> -> memref<1x632x128xf32, #tpu.memory_space<hbm>>
        %dma_start3A_37 = tpu.memref_squeeze %dma_start3A_36 : memref<1x632x128xf32, #tpu.memory_space<hbm>> -> memref<632x128xf32, #tpu.memory_space<hbm>>
        %dma_start3A_38 = arith.constant 0 : i32
        %dma_start3A_39 = tpu.memref_slice %arg7[%mul3A_32, %dma_start3A_38] : memref<10112x128xf32, #tpu.memory_space<vmem_shared>> -> memref<632x128xf32, #tpu.memory_space<vmem_shared>>
        tpu.enqueue_dma source(%dma_start3A_39 : memref<632x128xf32, #tpu.memory_space<vmem_shared>>) target(%dma_start3A_37 : memref<632x128xf32, #tpu.memory_space<hbm>>) target_semaphore(%run_scoped3A : memref<!tpu.dma_semaphore, #tpu.memory_space<semaphore_mem>>)
        %dma_wait3A = arith.constant 0 : i32
        %dma_wait3A_40 = tpu.memref_slice %arg6[%arg0, %mul3A_34, %dma_wait3A] : memref<2x10000x128xf32, #tpu.memory_space<hbm>> -> memref<1x632x128xf32, #tpu.memory_space<hbm>>
        %dma_wait3A_41 = tpu.memref_squeeze %dma_wait3A_40 : memref<1x632x128xf32, #tpu.memory_space<hbm>> -> memref<632x128xf32, #tpu.memory_space<hbm>>
        %dma_wait3A_42 = arith.constant 0 : i32
        %dma_wait3A_43 = tpu.memref_slice %arg7[%mul3A_32, %dma_wait3A_42] : memref<10112x128xf32, #tpu.memory_space<vmem_shared>> -> memref<632x128xf32, #tpu.memory_space<vmem_shared>>
        tpu.wait_dma2 semaphore(%run_scoped3A : memref<!tpu.dma_semaphore, #tpu.memory_space<semaphore_mem>>) src(%dma_wait3A_43 : memref<632x128xf32, #tpu.memory_space<vmem_shared>>) dst(%dma_wait3A_41 : memref<632x128xf32, #tpu.memory_space<hbm>>)
        tpu.yield
      }) : () -> ()
    } else {
    }
    %eq3A = arith.constant 15 : i32
    %eq3A_27 = arith.cmpi eq, %arg1, %eq3A : i32
    %convert_element_type3A_28 = arith.extui %eq3A_27 : i1 to i32
    %cond3A_29 = arith.constant 0 : i32
    %cond3A_30 = arith.cmpi ne, %convert_element_type3A_28, %cond3A_29 : i32
    scf.if %cond3A_30 {
      "tpu.region"() ({
        %run_scoped3A = tpu.sem_alloc : memref<!tpu.dma_semaphore, #tpu.memory_space<semaphore_mem>>
        %dma_start3A_31 = arith.constant 9480 : i32
        %dma_start3A_32 = arith.constant 0 : i32
        %dma_start3A_33 = tpu.memref_slice %arg6[%arg0, %dma_start3A_31, %dma_start3A_32] : memref<2x10000x128xf32, #tpu.memory_space<hbm>> -> memref<1x520x128xf32, #tpu.memory_space<hbm>>
        %dma_start3A_34 = tpu.memref_squeeze %dma_start3A_33 : memref<1x520x128xf32, #tpu.memory_space<hbm>> -> memref<520x128xf32, #tpu.memory_space<hbm>>
        %dma_start3A_35 = arith.constant 9480 : i32
        %dma_start3A_36 = arith.constant 0 : i32
        %dma_start3A_37 = tpu.memref_slice %arg7[%dma_start3A_35, %dma_start3A_36] : memref<10112x128xf32, #tpu.memory_space<vmem_shared>> -> memref<520x128xf32, #tpu.memory_space<vmem_shared>>
        tpu.enqueue_dma source(%dma_start3A_37 : memref<520x128xf32, #tpu.memory_space<vmem_shared>>) target(%dma_start3A_34 : memref<520x128xf32, #tpu.memory_space<hbm>>) target_semaphore(%run_scoped3A : memref<!tpu.dma_semaphore, #tpu.memory_space<semaphore_mem>>)
        %dma_wait3A = arith.constant 9480 : i32
        %dma_wait3A_38 = arith.constant 0 : i32
        %dma_wait3A_39 = tpu.memref_slice %arg6[%arg0, %dma_wait3A, %dma_wait3A_38] : memref<2x10000x128xf32, #tpu.memory_space<hbm>> -> memref<1x520x128xf32, #tpu.memory_space<hbm>>
        %dma_wait3A_40 = tpu.memref_squeeze %dma_wait3A_39 : memref<1x520x128xf32, #tpu.memory_space<hbm>> -> memref<520x128xf32, #tpu.memory_space<hbm>>
        %dma_wait3A_41 = arith.constant 9480 : i32
        %dma_wait3A_42 = arith.constant 0 : i32
        %dma_wait3A_43 = tpu.memref_slice %arg7[%dma_wait3A_41, %dma_wait3A_42] : memref<10112x128xf32, #tpu.memory_space<vmem_shared>> -> memref<520x128xf32, #tpu.memory_space<vmem_shared>>
        tpu.wait_dma2 semaphore(%run_scoped3A : memref<!tpu.dma_semaphore, #tpu.memory_space<semaphore_mem>>) src(%dma_wait3A_43 : memref<520x128xf32, #tpu.memory_space<vmem_shared>>) dst(%dma_wait3A_40 : memref<520x128xf32, #tpu.memory_space<hbm>>)
        tpu.yield
      }) : () -> ()
    } else {
    }
    return
  }
}

module attributes {stable_mosaic.version = 14 : i64} {
  func.func @_embed_body(%arg0: memref<10000x1xi32, #tpu.memory_space<vmem>>, %arg1: memref<16x128xf32, #tpu.memory_space<vmem>>, %arg2: memref<128x128xf32, #tpu.memory_space<vmem>>, %arg3: memref<2x10000x128xf32, #tpu.memory_space<vmem>>, %arg4: memref<10000x128xf32, #tpu.memory_space<vmem>>, %arg5: memref<10000x8xf32, #tpu.memory_space<vmem>>) attributes {dimension_semantics = [], scalar_prefetch = 0 : i64, scratch_operands = 0 : i64, tpu.core_type = #tpu.core_type<tc>} {
    %get3A = arith.constant 0 : index
    %get3A_0 = arith.constant 0 : index
    %get3A_1 = vector.load %arg0[%get3A, %get3A_0] : memref<10000x1xi32, #tpu.memory_space<vmem>>, vector<10000x1xi32>
    %iota3A = tpu.iota {dimensions = array<i32: 1>} : vector<10000x16xi32>
    %eq3A = vector.broadcast %get3A_1 : vector<10000x1xi32> to vector<10000x16xi32>
    %eq3A_2 = arith.cmpi eq, %eq3A, %iota3A : vector<10000x16xi32>
    %convert_element_type3A = arith.extui %eq3A_2 : vector<10000x16xi1> to vector<10000x16xi32>
    %convert_element_type3A_3 = arith.sitofp %convert_element_type3A : vector<10000x16xi32> to vector<10000x16xf32>
    %get3A_4 = arith.constant 0 : index
    %get3A_5 = arith.constant 0 : index
    %get3A_6 = vector.load %arg1[%get3A_4, %get3A_5] : memref<16x128xf32, #tpu.memory_space<vmem>>, vector<16x128xf32>
    %get3A_7 = arith.constant 0 : index
    %get3A_8 = arith.constant 0 : index
    %get3A_9 = vector.load %arg2[%get3A_7, %get3A_8] : memref<128x128xf32, #tpu.memory_space<vmem>>, vector<128x128xf32>
    %dot_general3A = arith.constant dense<0.000000e+00> : vector<16x128xf32>
    %dot_general3A_10 = tpu.matmul %get3A_6, %get3A_9, %dot_general3A {dimension_numbers = #tpu.dot_dimension_numbers<[1], [0], [0], [1], [0, 0, 1, 1], [], []>, transpose_lhs_hint = false} : vector<16x128xf32>, vector<128x128xf32>, vector<16x128xf32> -> vector<16x128xf32>
    %dot_general3A_11 = arith.constant dense<0.000000e+00> : vector<10000x128xf32>
    %dot_general3A_12 = tpu.matmul %convert_element_type3A_3, %dot_general3A_10, %dot_general3A_11 {dimension_numbers = #tpu.dot_dimension_numbers<[1], [0], [0], [1], [0, 0, 1, 1], [], []>, transpose_lhs_hint = false} : vector<10000x16xf32>, vector<16x128xf32>, vector<10000x128xf32> -> vector<10000x128xf32>
    %get3A_13 = arith.constant 0 : index
    %get3A_14 = arith.constant 0 : index
    %get3A_15 = arith.constant 0 : index
    %get3A_16 = vector.load %arg3[%get3A_13, %get3A_14, %get3A_15] : memref<2x10000x128xf32, #tpu.memory_space<vmem>>, vector<2x10000x128xf32>
    %slice3A = vector.extract_strided_slice %get3A_16 {offsets = [0, 0, 0], sizes = [1, 10000, 1], strides = [1, 1, 1]} : vector<2x10000x128xf32> to vector<1x10000x1xf32>
    %squeeze3A = vector.shape_cast %slice3A : vector<1x10000x1xf32> to vector<10000x1xf32>
    %slice3A_17 = vector.extract_strided_slice %get3A_16 {offsets = [1, 0, 0], sizes = [1, 10000, 1], strides = [1, 1, 1]} : vector<2x10000x128xf32> to vector<1x10000x1xf32>
    %squeeze3A_18 = vector.shape_cast %slice3A_17 : vector<1x10000x1xf32> to vector<10000x1xf32>
    %add3A = arith.addf %squeeze3A, %squeeze3A_18 : vector<10000x1xf32>
    %add3A_19 = arith.constant 1.000000e+00 : f32
    %add3A_20 = vector.broadcast %add3A_19 : f32 to vector<10000x1xf32>
    %add3A_21 = arith.addf %add3A, %add3A_20 : vector<10000x1xf32>
    %rsqrt3A = math.rsqrt %add3A_21 : vector<10000x1xf32>
    %broadcast_in_dim3A = vector.shape_cast %rsqrt3A : vector<10000x1xf32> to vector<10000x1xf32>
    %broadcast_in_dim3A_22 = vector.broadcast %broadcast_in_dim3A : vector<10000x1xf32> to vector<10000x8xf32>
    %swap3A = arith.constant 0 : index
    %swap3A_23 = arith.constant 0 : index
    %swap3A_24 = vector.load %arg5[%swap3A, %swap3A_23] : memref<10000x8xf32, #tpu.memory_space<vmem>>, vector<10000x8xf32>
    tpu.vector_store %arg5[%swap3A, %swap3A_23], %broadcast_in_dim3A_22 {strides = array<i32>} : memref<10000x8xf32, #tpu.memory_space<vmem>>, vector<10000x8xf32>,
    %mul3A = vector.broadcast %rsqrt3A : vector<10000x1xf32> to vector<10000x128xf32>
    %mul3A_25 = arith.mulf %dot_general3A_12, %mul3A : vector<10000x128xf32>
    %swap3A_26 = arith.constant 0 : index
    %swap3A_27 = arith.constant 0 : index
    %swap3A_28 = vector.load %arg4[%swap3A_26, %swap3A_27] : memref<10000x128xf32, #tpu.memory_space<vmem>>, vector<10000x128xf32>
    tpu.vector_store %arg4[%swap3A_26, %swap3A_27], %mul3A_25 {strides = array<i32>} : memref<10000x128xf32, #tpu.memory_space<vmem>>, vector<10000x128xf32>,
    return
  }
}

module attributes {stable_mosaic.version = 14 : i64} {
  func.func @_mid_body(%arg0: memref<2x10000x128xf32, #tpu.memory_space<vmem>>, %arg1: memref<10000x128xf32, #tpu.memory_space<vmem>>, %arg2: memref<10000x8xf32, #tpu.memory_space<vmem>>, %arg3: memref<1x128xf32, #tpu.memory_space<vmem>>, %arg4: memref<1x128xf32, #tpu.memory_space<vmem>>, %arg5: memref<1x128xf32, #tpu.memory_space<vmem>>, %arg6: memref<128x128xf32, #tpu.memory_space<vmem>>, %arg7: memref<10000x128xf32, #tpu.memory_space<vmem>>) attributes {dimension_semantics = [], scalar_prefetch = 0 : i64, scratch_operands = 0 : i64, tpu.core_type = #tpu.core_type<tc>} {
    %get3A = arith.constant 0 : index
    %get3A_0 = arith.constant 0 : index
    %get3A_1 = arith.constant 0 : index
    %get3A_2 = vector.load %arg0[%get3A, %get3A_0, %get3A_1] : memref<2x10000x128xf32, #tpu.memory_space<vmem>>, vector<1x10000x128xf32>
    %get3A_3 = vector.shape_cast %get3A_2 : vector<1x10000x128xf32> to vector<10000x128xf32>
    %get3A_4 = arith.constant 1 : index
    %get3A_5 = arith.constant 0 : index
    %get3A_6 = arith.constant 0 : index
    %get3A_7 = vector.load %arg0[%get3A_4, %get3A_5, %get3A_6] : memref<2x10000x128xf32, #tpu.memory_space<vmem>>, vector<1x10000x128xf32>
    %get3A_8 = vector.shape_cast %get3A_7 : vector<1x10000x128xf32> to vector<10000x128xf32>
    %add3A = arith.addf %get3A_3, %get3A_8 : vector<10000x128xf32>
    %get3A_9 = arith.constant 0 : index
    %get3A_10 = arith.constant 0 : index
    %get3A_11 = vector.load %arg1[%get3A_9, %get3A_10] : memref<10000x128xf32, #tpu.memory_space<vmem>>, vector<10000x128xf32>
    %get3A_12 = arith.constant 0 : index
    %get3A_13 = arith.constant 0 : index
    %get3A_14 = vector.load %arg2[%get3A_12, %get3A_13] : memref<10000x8xf32, #tpu.memory_space<vmem>>, vector<10000x1xf32>
    %add3A_15 = arith.addf %add3A, %get3A_11 : vector<10000x128xf32>
    %mul3A = vector.broadcast %get3A_14 : vector<10000x1xf32> to vector<10000x128xf32>
    %mul3A_16 = arith.mulf %mul3A, %add3A_15 : vector<10000x128xf32>
    %get3A_17 = arith.constant 0 : index
    %get3A_18 = arith.constant 0 : index
    %get3A_19 = vector.load %arg3[%get3A_17, %get3A_18] : memref<1x128xf32, #tpu.memory_space<vmem>>, vector<1x128xf32>
    %add3A_20 = vector.broadcast %get3A_19 : vector<1x128xf32> to vector<10000x128xf32>
    %add3A_21 = arith.addf %mul3A_16, %add3A_20 : vector<10000x128xf32>
    %reduce_sum3A = arith.constant dense<0.000000e+00> : vector<128xf32>
    %reduce_sum3A_22 = vector.multi_reduction <add>, %add3A_21, %reduce_sum3A [0] : vector<10000x128xf32> to vector<128xf32>
    %broadcast_in_dim3A = vector.shape_cast %reduce_sum3A_22 : vector<128xf32> to vector<1x128xf32>
    %div3A = arith.constant 1.000000e+04 : f32
    %div3A_23 = vector.broadcast %div3A : f32 to vector<1x128xf32>
    %div3A_24 = arith.divf %broadcast_in_dim3A, %div3A_23 : vector<1x128xf32>
    %sub3A = vector.broadcast %div3A_24 : vector<1x128xf32> to vector<10000x128xf32>
    %sub3A_25 = arith.subf %add3A_21, %sub3A : vector<10000x128xf32>
    %mul3A_26 = arith.mulf %sub3A_25, %sub3A_25 : vector<10000x128xf32>
    %reduce_sum3A_27 = arith.constant dense<0.000000e+00> : vector<128xf32>
    %reduce_sum3A_28 = vector.multi_reduction <add>, %mul3A_26, %reduce_sum3A_27 [0] : vector<10000x128xf32> to vector<128xf32>
    %broadcast_in_dim3A_29 = vector.shape_cast %reduce_sum3A_28 : vector<128xf32> to vector<1x128xf32>
    %div3A_30 = arith.constant 1.000000e+04 : f32
    %div3A_31 = vector.broadcast %div3A_30 : f32 to vector<1x128xf32>
    %div3A_32 = arith.divf %broadcast_in_dim3A_29, %div3A_31 : vector<1x128xf32>
    %add3A_33 = arith.constant 9.99999974E-6 : f32
    %add3A_34 = vector.broadcast %add3A_33 : f32 to vector<1x128xf32>
    %add3A_35 = arith.addf %div3A_32, %add3A_34 : vector<1x128xf32>
    %rsqrt3A = math.rsqrt %add3A_35 : vector<1x128xf32>
    %mul3A_36 = vector.broadcast %rsqrt3A : vector<1x128xf32> to vector<10000x128xf32>
    %mul3A_37 = arith.mulf %sub3A_25, %mul3A_36 : vector<10000x128xf32>
    %get3A_38 = arith.constant 0 : index
    %get3A_39 = arith.constant 0 : index
    %get3A_40 = vector.load %arg4[%get3A_38, %get3A_39] : memref<1x128xf32, #tpu.memory_space<vmem>>, vector<1x128xf32>
    %mul3A_41 = vector.broadcast %get3A_40 : vector<1x128xf32> to vector<10000x128xf32>
    %mul3A_42 = arith.mulf %mul3A_41, %mul3A_37 : vector<10000x128xf32>
    %get3A_43 = arith.constant 0 : index
    %get3A_44 = arith.constant 0 : index
    %get3A_45 = vector.load %arg5[%get3A_43, %get3A_44] : memref<1x128xf32, #tpu.memory_space<vmem>>, vector<1x128xf32>
    %add3A_46 = vector.broadcast %get3A_45 : vector<1x128xf32> to vector<10000x128xf32>
    %add3A_47 = arith.addf %mul3A_42, %add3A_46 : vector<10000x128xf32>
    %max3A = arith.constant 0.000000e+00 : f32
    %max3A_48 = vector.broadcast %max3A : f32 to vector<10000x128xf32>
    %max3A_49 = arith.maximumf %add3A_47, %max3A_48 : vector<10000x128xf32>
    %get3A_50 = arith.constant 0 : index
    %get3A_51 = arith.constant 0 : index
    %get3A_52 = vector.load %arg6[%get3A_50, %get3A_51] : memref<128x128xf32, #tpu.memory_space<vmem>>, vector<128x128xf32>
    %dot_general3A = arith.constant dense<0.000000e+00> : vector<10000x128xf32>
    %dot_general3A_53 = tpu.matmul %max3A_49, %get3A_52, %dot_general3A {dimension_numbers = #tpu.dot_dimension_numbers<[1], [0], [0], [1], [0, 0, 1, 1], [], []>, transpose_lhs_hint = false} : vector<10000x128xf32>, vector<128x128xf32>, vector<10000x128xf32> -> vector<10000x128xf32>
    %mul3A_54 = vector.broadcast %get3A_14 : vector<10000x1xf32> to vector<10000x128xf32>
    %mul3A_55 = arith.mulf %dot_general3A_53, %mul3A_54 : vector<10000x128xf32>
    %swap3A = arith.constant 0 : index
    %swap3A_56 = arith.constant 0 : index
    %swap3A_57 = vector.load %arg7[%swap3A, %swap3A_56] : memref<10000x128xf32, #tpu.memory_space<vmem>>, vector<10000x128xf32>
    tpu.vector_store %arg7[%swap3A, %swap3A_56], %mul3A_55 {strides = array<i32>} : memref<10000x128xf32, #tpu.memory_space<vmem>>, vector<10000x128xf32>,
    return
  }
}

module attributes {stable_mosaic.version = 14 : i64} {
  func.func @_final_body(%arg0: memref<2x10000x128xf32, #tpu.memory_space<vmem>>, %arg1: memref<10000x128xf32, #tpu.memory_space<vmem>>, %arg2: memref<10000x8xf32, #tpu.memory_space<vmem>>, %arg3: memref<1x128xf32, #tpu.memory_space<vmem>>, %arg4: memref<1x128xf32, #tpu.memory_space<vmem>>, %arg5: memref<1x128xf32, #tpu.memory_space<vmem>>, %arg6: memref<1x10000xi32, #tpu.memory_space<vmem>>, %arg7: memref<128x128xf32, #tpu.memory_space<vmem>>, %arg8: memref<1x128xf32, #tpu.memory_space<vmem>>, %arg9: memref<512x128xf32, #tpu.memory_space<vmem>>) attributes {dimension_semantics = [], scalar_prefetch = 0 : i64, scratch_operands = 0 : i64, tpu.core_type = #tpu.core_type<tc>} {
    %get3A = arith.constant 0 : index
    %get3A_0 = arith.constant 0 : index
    %get3A_1 = arith.constant 0 : index
    %get3A_2 = vector.load %arg0[%get3A, %get3A_0, %get3A_1] : memref<2x10000x128xf32, #tpu.memory_space<vmem>>, vector<1x10000x128xf32>
    %get3A_3 = vector.shape_cast %get3A_2 : vector<1x10000x128xf32> to vector<10000x128xf32>
    %get3A_4 = arith.constant 1 : index
    %get3A_5 = arith.constant 0 : index
    %get3A_6 = arith.constant 0 : index
    %get3A_7 = vector.load %arg0[%get3A_4, %get3A_5, %get3A_6] : memref<2x10000x128xf32, #tpu.memory_space<vmem>>, vector<1x10000x128xf32>
    %get3A_8 = vector.shape_cast %get3A_7 : vector<1x10000x128xf32> to vector<10000x128xf32>
    %add3A = arith.addf %get3A_3, %get3A_8 : vector<10000x128xf32>
    %get3A_9 = arith.constant 0 : index
    %get3A_10 = arith.constant 0 : index
    %get3A_11 = vector.load %arg1[%get3A_9, %get3A_10] : memref<10000x128xf32, #tpu.memory_space<vmem>>, vector<10000x128xf32>
    %get3A_12 = arith.constant 0 : index
    %get3A_13 = arith.constant 0 : index
    %get3A_14 = vector.load %arg2[%get3A_12, %get3A_13] : memref<10000x8xf32, #tpu.memory_space<vmem>>, vector<10000x1xf32>
    %add3A_15 = arith.addf %add3A, %get3A_11 : vector<10000x128xf32>
    %mul3A = vector.broadcast %get3A_14 : vector<10000x1xf32> to vector<10000x128xf32>
    %mul3A_16 = arith.mulf %mul3A, %add3A_15 : vector<10000x128xf32>
    %get3A_17 = arith.constant 0 : index
    %get3A_18 = arith.constant 0 : index
    %get3A_19 = vector.load %arg3[%get3A_17, %get3A_18] : memref<1x128xf32, #tpu.memory_space<vmem>>, vector<1x128xf32>
    %add3A_20 = vector.broadcast %get3A_19 : vector<1x128xf32> to vector<10000x128xf32>
    %add3A_21 = arith.addf %mul3A_16, %add3A_20 : vector<10000x128xf32>
    %reduce_sum3A = arith.constant dense<0.000000e+00> : vector<128xf32>
    %reduce_sum3A_22 = vector.multi_reduction <add>, %add3A_21, %reduce_sum3A [0] : vector<10000x128xf32> to vector<128xf32>
    %broadcast_in_dim3A = vector.shape_cast %reduce_sum3A_22 : vector<128xf32> to vector<1x128xf32>
    %div3A = arith.constant 1.000000e+04 : f32
    %div3A_23 = vector.broadcast %div3A : f32 to vector<1x128xf32>
    %div3A_24 = arith.divf %broadcast_in_dim3A, %div3A_23 : vector<1x128xf32>
    %sub3A = vector.broadcast %div3A_24 : vector<1x128xf32> to vector<10000x128xf32>
    %sub3A_25 = arith.subf %add3A_21, %sub3A : vector<10000x128xf32>
    %mul3A_26 = arith.mulf %sub3A_25, %sub3A_25 : vector<10000x128xf32>
    %reduce_sum3A_27 = arith.constant dense<0.000000e+00> : vector<128xf32>
    %reduce_sum3A_28 = vector.multi_reduction <add>, %mul3A_26, %reduce_sum3A_27 [0] : vector<10000x128xf32> to vector<128xf32>
    %broadcast_in_dim3A_29 = vector.shape_cast %reduce_sum3A_28 : vector<128xf32> to vector<1x128xf32>
    %div3A_30 = arith.constant 1.000000e+04 : f32
    %div3A_31 = vector.broadcast %div3A_30 : f32 to vector<1x128xf32>
    %div3A_32 = arith.divf %broadcast_in_dim3A_29, %div3A_31 : vector<1x128xf32>
    %add3A_33 = arith.constant 9.99999974E-6 : f32
    %add3A_34 = vector.broadcast %add3A_33 : f32 to vector<1x128xf32>
    %add3A_35 = arith.addf %div3A_32, %add3A_34 : vector<1x128xf32>
    %rsqrt3A = math.rsqrt %add3A_35 : vector<1x128xf32>
    %mul3A_36 = vector.broadcast %rsqrt3A : vector<1x128xf32> to vector<10000x128xf32>
    %mul3A_37 = arith.mulf %sub3A_25, %mul3A_36 : vector<10000x128xf32>
    %get3A_38 = arith.constant 0 : index
    %get3A_39 = arith.constant 0 : index
    %get3A_40 = vector.load %arg4[%get3A_38, %get3A_39] : memref<1x128xf32, #tpu.memory_space<vmem>>, vector<1x128xf32>
    %mul3A_41 = vector.broadcast %get3A_40 : vector<1x128xf32> to vector<10000x128xf32>
    %mul3A_42 = arith.mulf %mul3A_41, %mul3A_37 : vector<10000x128xf32>
    %get3A_43 = arith.constant 0 : index
    %get3A_44 = arith.constant 0 : index
    %get3A_45 = vector.load %arg5[%get3A_43, %get3A_44] : memref<1x128xf32, #tpu.memory_space<vmem>>, vector<1x128xf32>
    %add3A_46 = vector.broadcast %get3A_45 : vector<1x128xf32> to vector<10000x128xf32>
    %add3A_47 = arith.addf %mul3A_42, %add3A_46 : vector<10000x128xf32>
    %max3A = arith.constant 0.000000e+00 : f32
    %max3A_48 = vector.broadcast %max3A : f32 to vector<10000x128xf32>
    %max3A_49 = arith.maximumf %add3A_47, %max3A_48 : vector<10000x128xf32>
    %broadcast_in_dim3A_50 = arith.constant 0.000000e+00 : f32
    %broadcast_in_dim3A_51 = vector.broadcast %broadcast_in_dim3A_50 : f32 to vector<512x128xf32>
    %broadcast_in_dim3A_52 = arith.constant 0.000000e+00 : f32
    %broadcast_in_dim3A_53 = vector.broadcast %broadcast_in_dim3A_52 : f32 to vector<512x1xf32>
    %iota3A = tpu.iota {dimensions = array<i32: 0>} : vector<512x2000xi32>
    %get3A_54 = arith.constant 0 : index
    %get3A_55 = arith.constant 0 : index
    %get3A_56 = vector.load %arg6[%get3A_54, %get3A_55] : memref<1x10000xi32, #tpu.memory_space<vmem>>, vector<1x2000xi32>
    %eq3A = vector.broadcast %get3A_56 : vector<1x2000xi32> to vector<512x2000xi32>
    %eq3A_57 = arith.cmpi eq, %iota3A, %eq3A : vector<512x2000xi32>
    %convert_element_type3A = arith.extui %eq3A_57 : vector<512x2000xi1> to vector<512x2000xi32>
    %convert_element_type3A_58 = arith.sitofp %convert_element_type3A : vector<512x2000xi32> to vector<512x2000xf32>
    %slice3A = vector.extract_strided_slice %max3A_49 {offsets = [0, 0], sizes = [2000, 128], strides = [1, 1]} : vector<10000x128xf32> to vector<2000x128xf32>
    %dot_general3A = arith.constant dense<0.000000e+00> : vector<512x128xf32>
    %dot_general3A_59 = tpu.matmul %convert_element_type3A_58, %slice3A, %dot_general3A {dimension_numbers = #tpu.dot_dimension_numbers<[1], [0], [0], [1], [0, 0, 1, 1], [], []>, transpose_lhs_hint = false} : vector<512x2000xf32>, vector<2000x128xf32>, vector<512x128xf32> -> vector<512x128xf32>
    %add3A_60 = arith.addf %broadcast_in_dim3A_51, %dot_general3A_59 : vector<512x128xf32>
    %reduce_sum3A_61 = arith.constant dense<0.000000e+00> : vector<512xf32>
    %reduce_sum3A_62 = vector.multi_reduction <add>, %convert_element_type3A_58, %reduce_sum3A_61 [1] : vector<512x2000xf32> to vector<512xf32>
    %broadcast_in_dim3A_63 = vector.shape_cast %reduce_sum3A_62 : vector<512xf32> to vector<512x1xf32>
    %add3A_64 = arith.addf %broadcast_in_dim3A_53, %broadcast_in_dim3A_63 : vector<512x1xf32>
    %get3A_65 = arith.constant 0 : index
    %get3A_66 = arith.constant 2000 : index
    %get3A_67 = vector.load %arg6[%get3A_65, %get3A_66] : memref<1x10000xi32, #tpu.memory_space<vmem>>, vector<1x2000xi32>
    %eq3A_68 = vector.broadcast %get3A_67 : vector<1x2000xi32> to vector<512x2000xi32>
    %eq3A_69 = arith.cmpi eq, %iota3A, %eq3A_68 : vector<512x2000xi32>
    %convert_element_type3A_70 = arith.extui %eq3A_69 : vector<512x2000xi1> to vector<512x2000xi32>
    %convert_element_type3A_71 = arith.sitofp %convert_element_type3A_70 : vector<512x2000xi32> to vector<512x2000xf32>
    %slice3A_72 = vector.extract_strided_slice %max3A_49 {offsets = [2000, 0], sizes = [2000, 128], strides = [1, 1]} : vector<10000x128xf32> to vector<2000x128xf32>
    %dot_general3A_73 = arith.constant dense<0.000000e+00> : vector<512x128xf32>
    %dot_general3A_74 = tpu.matmul %convert_element_type3A_71, %slice3A_72, %dot_general3A_73 {dimension_numbers = #tpu.dot_dimension_numbers<[1], [0], [0], [1], [0, 0, 1, 1], [], []>, transpose_lhs_hint = false} : vector<512x2000xf32>, vector<2000x128xf32>, vector<512x128xf32> -> vector<512x128xf32>
    %add3A_75 = arith.addf %add3A_60, %dot_general3A_74 : vector<512x128xf32>
    %reduce_sum3A_76 = arith.constant dense<0.000000e+00> : vector<512xf32>
    %reduce_sum3A_77 = vector.multi_reduction <add>, %convert_element_type3A_71, %reduce_sum3A_76 [1] : vector<512x2000xf32> to vector<512xf32>
    %broadcast_in_dim3A_78 = vector.shape_cast %reduce_sum3A_77 : vector<512xf32> to vector<512x1xf32>
    %add3A_79 = arith.addf %add3A_64, %broadcast_in_dim3A_78 : vector<512x1xf32>
    %get3A_80 = arith.constant 0 : index
    %get3A_81 = arith.constant 4000 : index
    %get3A_82 = vector.load %arg6[%get3A_80, %get3A_81] : memref<1x10000xi32, #tpu.memory_space<vmem>>, vector<1x2000xi32>
    %eq3A_83 = vector.broadcast %get3A_82 : vector<1x2000xi32> to vector<512x2000xi32>
    %eq3A_84 = arith.cmpi eq, %iota3A, %eq3A_83 : vector<512x2000xi32>
    %convert_element_type3A_85 = arith.extui %eq3A_84 : vector<512x2000xi1> to vector<512x2000xi32>
    %convert_element_type3A_86 = arith.sitofp %convert_element_type3A_85 : vector<512x2000xi32> to vector<512x2000xf32>
    %slice3A_87 = vector.extract_strided_slice %max3A_49 {offsets = [4000, 0], sizes = [2000, 128], strides = [1, 1]} : vector<10000x128xf32> to vector<2000x128xf32>
    %dot_general3A_88 = arith.constant dense<0.000000e+00> : vector<512x128xf32>
    %dot_general3A_89 = tpu.matmul %convert_element_type3A_86, %slice3A_87, %dot_general3A_88 {dimension_numbers = #tpu.dot_dimension_numbers<[1], [0], [0], [1], [0, 0, 1, 1], [], []>, transpose_lhs_hint = false} : vector<512x2000xf32>, vector<2000x128xf32>, vector<512x128xf32> -> vector<512x128xf32>
    %add3A_90 = arith.addf %add3A_75, %dot_general3A_89 : vector<512x128xf32>
    %reduce_sum3A_91 = arith.constant dense<0.000000e+00> : vector<512xf32>
    %reduce_sum3A_92 = vector.multi_reduction <add>, %convert_element_type3A_86, %reduce_sum3A_91 [1] : vector<512x2000xf32> to vector<512xf32>
    %broadcast_in_dim3A_93 = vector.shape_cast %reduce_sum3A_92 : vector<512xf32> to vector<512x1xf32>
    %add3A_94 = arith.addf %add3A_79, %broadcast_in_dim3A_93 : vector<512x1xf32>
    %get3A_95 = arith.constant 0 : index
    %get3A_96 = arith.constant 6000 : index
    %get3A_97 = vector.load %arg6[%get3A_95, %get3A_96] : memref<1x10000xi32, #tpu.memory_space<vmem>>, vector<1x2000xi32>
    %eq3A_98 = vector.broadcast %get3A_97 : vector<1x2000xi32> to vector<512x2000xi32>
    %eq3A_99 = arith.cmpi eq, %iota3A, %eq3A_98 : vector<512x2000xi32>
    %convert_element_type3A_100 = arith.extui %eq3A_99 : vector<512x2000xi1> to vector<512x2000xi32>
    %convert_element_type3A_101 = arith.sitofp %convert_element_type3A_100 : vector<512x2000xi32> to vector<512x2000xf32>
    %slice3A_102 = vector.extract_strided_slice %max3A_49 {offsets = [6000, 0], sizes = [2000, 128], strides = [1, 1]} : vector<10000x128xf32> to vector<2000x128xf32>
    %dot_general3A_103 = arith.constant dense<0.000000e+00> : vector<512x128xf32>
    %dot_general3A_104 = tpu.matmul %convert_element_type3A_101, %slice3A_102, %dot_general3A_103 {dimension_numbers = #tpu.dot_dimension_numbers<[1], [0], [0], [1], [0, 0, 1, 1], [], []>, transpose_lhs_hint = false} : vector<512x2000xf32>, vector<2000x128xf32>, vector<512x128xf32> -> vector<512x128xf32>
    %add3A_105 = arith.addf %add3A_90, %dot_general3A_104 : vector<512x128xf32>
    %reduce_sum3A_106 = arith.constant dense<0.000000e+00> : vector<512xf32>
    %reduce_sum3A_107 = vector.multi_reduction <add>, %convert_element_type3A_101, %reduce_sum3A_106 [1] : vector<512x2000xf32> to vector<512xf32>
    %broadcast_in_dim3A_108 = vector.shape_cast %reduce_sum3A_107 : vector<512xf32> to vector<512x1xf32>
    %add3A_109 = arith.addf %add3A_94, %broadcast_in_dim3A_108 : vector<512x1xf32>
    %get3A_110 = arith.constant 0 : index
    %get3A_111 = arith.constant 8000 : index
    %get3A_112 = vector.load %arg6[%get3A_110, %get3A_111] : memref<1x10000xi32, #tpu.memory_space<vmem>>, vector<1x2000xi32>
    %eq3A_113 = vector.broadcast %get3A_112 : vector<1x2000xi32> to vector<512x2000xi32>
    %eq3A_114 = arith.cmpi eq, %iota3A, %eq3A_113 : vector<512x2000xi32>
    %convert_element_type3A_115 = arith.extui %eq3A_114 : vector<512x2000xi1> to vector<512x2000xi32>
    %convert_element_type3A_116 = arith.sitofp %convert_element_type3A_115 : vector<512x2000xi32> to vector<512x2000xf32>
    %slice3A_117 = vector.extract_strided_slice %max3A_49 {offsets = [8000, 0], sizes = [2000, 128], strides = [1, 1]} : vector<10000x128xf32> to vector<2000x128xf32>
    %dot_general3A_118 = arith.constant dense<0.000000e+00> : vector<512x128xf32>
    %dot_general3A_119 = tpu.matmul %convert_element_type3A_116, %slice3A_117, %dot_general3A_118 {dimension_numbers = #tpu.dot_dimension_numbers<[1], [0], [0], [1], [0, 0, 1, 1], [], []>, transpose_lhs_hint = false} : vector<512x2000xf32>, vector<2000x128xf32>, vector<512x128xf32> -> vector<512x128xf32>
    %add3A_120 = arith.addf %add3A_105, %dot_general3A_119 : vector<512x128xf32>
    %reduce_sum3A_121 = arith.constant dense<0.000000e+00> : vector<512xf32>
    %reduce_sum3A_122 = vector.multi_reduction <add>, %convert_element_type3A_116, %reduce_sum3A_121 [1] : vector<512x2000xf32> to vector<512xf32>
    %broadcast_in_dim3A_123 = vector.shape_cast %reduce_sum3A_122 : vector<512xf32> to vector<512x1xf32>
    %add3A_124 = arith.addf %add3A_109, %broadcast_in_dim3A_123 : vector<512x1xf32>
    %max3A_125 = arith.constant 1.000000e+00 : f32
    %max3A_126 = vector.broadcast %max3A_125 : f32 to vector<512x1xf32>
    %max3A_127 = arith.maximumf %add3A_124, %max3A_126 : vector<512x1xf32>
    %div3A_128 = vector.broadcast %max3A_127 : vector<512x1xf32> to vector<512x128xf32>
    %div3A_129 = arith.divf %add3A_120, %div3A_128 : vector<512x128xf32>
    %get3A_130 = arith.constant 0 : index
    %get3A_131 = arith.constant 0 : index
    %get3A_132 = vector.load %arg7[%get3A_130, %get3A_131] : memref<128x128xf32, #tpu.memory_space<vmem>>, vector<128x128xf32>
    %dot_general3A_133 = arith.constant dense<0.000000e+00> : vector<512x128xf32>
    %dot_general3A_134 = tpu.matmul %div3A_129, %get3A_132, %dot_general3A_133 {dimension_numbers = #tpu.dot_dimension_numbers<[1], [0], [0], [1], [0, 0, 1, 1], [], []>, transpose_lhs_hint = false} : vector<512x128xf32>, vector<128x128xf32>, vector<512x128xf32> -> vector<512x128xf32>
    %get3A_135 = arith.constant 0 : index
    %get3A_136 = arith.constant 0 : index
    %get3A_137 = vector.load %arg8[%get3A_135, %get3A_136] : memref<1x128xf32, #tpu.memory_space<vmem>>, vector<1x128xf32>
    %add3A_138 = vector.broadcast %get3A_137 : vector<1x128xf32> to vector<512x128xf32>
    %add3A_139 = arith.addf %dot_general3A_134, %add3A_138 : vector<512x128xf32>
    %swap3A = arith.constant 0 : index
    %swap3A_140 = arith.constant 0 : index
    %swap3A_141 = vector.load %arg9[%swap3A, %swap3A_140] : memref<512x128xf32, #tpu.memory_space<vmem>>, vector<512x128xf32>
    tpu.vector_store %arg9[%swap3A, %swap3A_140], %add3A_139 {strides = array<i32>} : memref<512x128xf32, #tpu.memory_space<vmem>>, vector<512x128xf32>,
    return
  }
}

</mosaic_0001>

<sc_bundles>
// kernel: kernel.10.cloned.1.call-start
scs
__scs_entry_jumppad:
0x0: {  	(pc) =	sbr.rel $0x88, $3  }
0x1: {  	(tag) =	ssettag $0x0;
	lr =	simm.s32 $0x1  }
0x2: {  	[smem:$0x3F97] =	sst lr;
	_ =	strace $0xD0000000  }
0x3: {  	_ = 	snop  }
0x4: {  	_ = 	snop  }
0x5: {  	_ = 	snop  }
0x6: {  	_ = 	snop  }
0x7: {  	_ = 	snop  }
__scs_overlays_trampoline_lowered:
0x8: {  	[smem:$0x3FA6] =	sst s0  }
0x9: {  	[smem:$0x3FA7] =	sst s1  }
0xa: {  	[smem:$0x3FA8] =	sst s2  }
0xb: {  	[smem:$0x3FA9] =	sst s3  }
0xc: {  	[smem:$0x3FAA] =	sst s4  }
0xd: {  	[smem:$0x3FAB] =	sst s5  }
0xe: {  	[smem:$0x3FAC] =	sst s6  }
0xf: {  	[smem:$0x3FAD] =	sst s7  }
0x10: {  	[smem:$0x3FAE] =	sst s8  }
0x11: {  	[smem:$0x3FAF] =	sst s9;
	s0 =	simm.s32 @!p0 $0x0  }
0x12: {  	s1 =	sld [smem:$0x3F95];
	s0 =	simm.s32 @p0 $0x1  }
0x13: {  	[smem:$0x3FB0] =	sst s0;
	s0 =	simm.s32 @!p1 $0x0  }
0x14: {  	s2 =	sld [smem:$0x3F94];
	s0 =	simm.s32 @p1 $0x1  }
0x15: {  	[smem:$0x3FB1] =	sst s0;
	s0 =	simm.s32 @!p2 $0x0  }
0x16: {  	s3 =	sld [smem:$0x3FDB];
	s0 =	simm.s32 @p2 $0x1  }
0x17: {  	s4 =	simm.s32 $0x1BF5;
	[smem:$0x3FB3] =	sst s0  }
0x18: {  	s0 =	sld [smem:$0x3F96];
	_ =	swait.ge [sflag:s4], $0x0  }
0x19: {  	s7 =	sld [smem:$0x3F97]  }
0x1a: {  	s8 =	sadd.s32 $0xFFFFE003, lr  }
0x1b: {  	s9 =	sadd.s32 $0xFFFFFEF7, lr;
	s5 =	simm.s32 $0xFFFFFFFF;
	p2 =	slt.u32 s8, $0xFFFFF086  }
0x1c: {  	p1 =	slt.u32 s9, $0xF7A;
	s5 =	simm.s32 @!p2 $0x0  }
0x1d: {  	s5 =	simm.s32 @p1 $0x1;
	p0 =	seq.s32 s7, s2  }
0x1e: {  	s7 =	smul.u32 @!p0 $0xF7A, s2;
	p2 =	seq.s32 @!p0 s5, $0x0  }
0x1f: {  	s9 =	smul.u32 $0xF7A, s1;
	s8 =	simm.s32 @!p0 $0x1BF5;
	p2 =	por !p2, p0  }
0x20: {  	[sflag:s8] =	ssyncset.s32 @!p0 $0xFFFFF086;
	s6 =	sadd.s32 @!p0 s3, s7;
	s7 =	simm.s32 @!p0 $0x108  }
0x21: {  	s3 =	sadd.s32 s3, s9;
	s6 =	sadd.s32 @!p0 $0x88, s6;
	s7 =	simm.s32 @p2 $0x1082  }
0x22: {  	[simem:s7], [sflag:s8] =	dma.local @!p0 [hbm:s6], $0xF7A  }
0x23: {  	s9 =	sor.u32 $0xD0000000, s2;
	s6 =	simm.s32 $0x108;
	_ =	swait.ge @!p0 [sflag:s8], $0x0  }
0x24: {  	s3 =	sadd.s32 $0x88, s3;
	s6 =	simm.s32 @!p1 $0x1082;
	[sflag:s4] =	ssyncset.s32 $0xFFFFF086  }
0x25: {  	[simem:s6], [sflag:s4] =	dma.local [hbm:s3], $0xF7A  }
0x26: {  	[smem:$0x3F97] =	sst s1;
	(tag) =	ssettag s2;
	_ =	strace s9  }
0x27: {  	s1 =	sld [smem:$0x3FA7]  }
0x28: {  	s2 =	sld [smem:$0x3FA8]  }
0x29: {  	s4 =	sld [smem:$0x3FAA]  }
0x2a: {  	p0 =	seq.s32 s5, $0x0;
	s5 =	sld [smem:$0x3FAB]  }
0x2b: {  	s6 =	sld [smem:$0x3FAC]  }
0x2c: {  	s7 =	sld [smem:$0x3FAD]  }
0x2d: {  	s3 =	simm.s32 $0x108;
	s8 =	sld [smem:$0x3FAE]  }
0x2e: {  	s3 =	simm.s32 @!p0 $0x1082;
	s9 =	sld [smem:$0x3FAF]  }
0x2f: {  	lr =	sadd.s32 s0, s3;
	s0 =	sld [smem:$0x3FA6]  }
0x30: {  	s3 =	sld [smem:$0x3FA9]  }
0x31: {  	[smem:$0x3FB2] =	sst s10  }
0x32: {  	s10 =	sld [smem:$0x3FB0];
	_ =	sdelay $0x3  }
0x33: {  	p0 =	seq.s32 s10, $0x1;
	s10 =	sld [smem:$0x3FB2];
	_ =	sdelay $0x3  }
0x34: {  	[smem:$0x3FB2] =	sst s10  }
0x35: {  	s10 =	sld [smem:$0x3FB1];
	_ =	sdelay $0x3  }
0x36: {  	p1 =	seq.s32 s10, $0x1;
	s10 =	sld [smem:$0x3FB2];
	_ =	sdelay $0x3  }
0x37: {  	[smem:$0x3FB2] =	sst s10  }
0x38: {  	s10 =	sld [smem:$0x3FB3]  }
0x39: {  	_ = 	snop;
	(pc) =	sbr.ind lr, $3  }
0x3a: {  	_ = 	snop  }
0x3b: {  	_ = 	snop  }
0x3c: {  	p2 =	seq.s32 s10, $0x1;
	s10 =	sld [smem:$0x3FB2]  }
0x3d: {  	_ =	shalt  }
0x3e: {  	_ =	shalt  }
0x3f: {  	_ =	shalt  }
0x40: {  	_ =	shalt  }
0x41: {  	_ =	shalt  }
0x42: {  	_ =	shalt  }
0x43: {  	_ =	shalt  }
0x44: {  	_ =	shalt  }
0x45: {  	_ =	shalt  }
0x46: {  	_ =	shalt  }
0x47: {  	_ =	shalt  }
0x48: {  	_ =	shalt  }
0x49: {  	_ =	shalt  }
0x4a: {  	_ =	shalt  }
0x4b: {  	_ =	shalt  }
0x4c: {  	_ =	shalt  }
0x4d: {  	_ =	shalt  }
0x4e: {  	_ =	shalt  }
0x4f: {  	_ =	shalt  }
0x50: {  	_ =	shalt  }
0x51: {  	_ =	shalt  }
0x52: {  	_ =	shalt  }
0x53: {  	_ =	shalt  }
0x54: {  	_ =	shalt  }
0x55: {  	_ =	shalt  }
0x56: {  	_ =	shalt  }
0x57: {  	_ =	shalt  }
0x58: {  	_ =	shalt  }
0x59: {  	_ =	shalt  }
0x5a: {  	_ =	shalt  }
0x5b: {  	_ =	shalt  }
0x5c: {  	_ =	shalt  }
0x5d: {  	_ =	shalt  }
0x5e: {  	_ =	shalt  }
0x5f: {  	_ =	shalt  }
0x60: {  	_ =	shalt  }
0x61: {  	_ =	shalt  }
0x62: {  	_ =	shalt  }
0x63: {  	_ =	shalt  }
0x64: {  	_ =	shalt  }
0x65: {  	_ =	shalt  }
0x66: {  	_ =	shalt  }
0x67: {  	_ =	shalt  }
0x68: {  	_ =	shalt  }
0x69: {  	_ =	shalt  }
0x6a: {  	_ =	shalt  }
0x6b: {  	_ =	shalt  }
0x6c: {  	_ =	shalt  }
0x6d: {  	_ =	shalt  }
0x6e: {  	_ =	shalt  }
0x6f: {  	_ =	shalt  }
0x70: {  	_ =	shalt  }
0x71: {  	_ =	shalt  }
0x72: {  	_ =	shalt  }
0x73: {  	_ =	shalt  }
0x74: {  	_ =	shalt  }
0x75: {  	_ =	shalt  }
0x76: {  	_ =	shalt  }
0x77: {  	_ =	shalt  }
0x78: {  	_ =	shalt  }
0x79: {  	_ =	shalt  }
0x7a: {  	_ =	shalt  }
0x7b: {  	_ =	shalt  }
0x7c: {  	_ =	shalt  }
0x7d: {  	_ =	shalt  }
0x7e: {  	_ =	shalt  }
0x7f: {  	_ =	shalt  }
0x80: {  	_ =	shalt  }
0x81: {  	_ =	shalt  }
0x82: {  	_ =	shalt  }
0x83: {  	_ =	shalt  }
0x84: {  	_ =	shalt  }
0x85: {  	_ =	shalt  }
0x86: {  	_ =	shalt  }
0x87: {  	_ =	shalt  }
.Lfunc_end0:
.L_simem_size_0:
called_computation_lowered:
.L_overlay_start_0:
0x88: {  	s2 =	sld [smem:$0x3FD9]  }
0x89: {  	s3 =	sld [smem:$0x3FFE];
	_ =	sdelay $0x1  }
0x8a: {  	s1 =	srdreg.scid  }
0x8b: {  	s0 =	sand.u32 $0x1, s1  }
0x8c: {  	s17 =	sshll.u32 s0, $0xA;
	s2 =	sadd.s32 s3, s2  }
0x8d: {  	s2 =	sadd.s32 s2, s17  }
0x8e: {  	[smem:$0x3FBE] =	sst s2  }
0x8f: {  	_ = 	snop  }
0x90: {  	s2 =	sld [smem:$0x3FD0];
	(tm) =	ssettm $0x1  }
0x91: {  	s18 =	sld [smem:$0x3FFB];
	_ =	sdelay $0x3  }
0x92: {  	_ =	strace s18  }
0x93: {  	s3 =	sld [smem:$0x3FFC];
	_ =	sdelay $0x3  }
0x94: {  	_ =	strace s3  }
0x95: {  	s3 =	sld [smem:$0x3FFD];
	_ =	sdelay $0x3  }
0x96: {  	_ =	strace s3  }
0x97: {  	_ =	strace $0x8FFFFFFF  }
0x98: {  	s19 =	sld [smem:$0x3FDB];
	_ =	sdelay $0x1  }
0x99: {  	s4 =	simm.s32 $_scs_section_size  }
0x9a: {  	s5 =	simm.s32 $_size__tile_overlayer_lowered;
	s6 =	simm.s32 $_tile_overlayer_lowered  }
0x9b: {  	s22 =	simm.s32 $0x1BFF;
	s21 =	sshll.u32 s6, $0x1;
	s3 =	sadd.s32 s4, s19  }
0x9c: {  	s7 =	simm.s32 $0x0;
	s20 =	sshll.u32 s5, $0x1;
	s5 =	sadd.s32 s21, s3  }
0x9d: {  	[timem:s7], [sflag:s22] =	dma.local [hbm:s5], s20  }
0x9e: {  	_ =	swait.ge [sflag:s22], s20  }
0x9f: {  	s4 =	ssub.s32 $0x0, s20;
	[sflag:s22] =	ssyncset.done $0x0  }
0xa0: {  	[sflag:s22] =	ssyncadd.s32 s4;
	_ =	sdelay $0x1  }
0xa1: {  	s23 =	simm.s32 $0x1B8B  }
0xa2: {  	_ =	swait.ge [sflag:s23], $0x1  }
0xa3: {  	[sflag:s23] =	ssyncset.done $0x0  }
0xa4: {  	s25 =	simm.s32 $0x1B8E;
	s24 =	sld [smem:$0x3FFE];
	[sflag:s23] =	ssyncadd.s32 $0xFFFFFFFF  }
0xa5: {  	s26 =	simm.s32 $execute0_lowered;
	[smem:$0x3FD2] =	sst s25  }
0xa6: {  	s5 =	sshll.u32 s26, $0x1;
	_ =	strace $0x80000046;
	[dreg:$0x1] =	wrdreg $0xFFFFFFFF  }
0xa7: {  	s28 =	simm.s32 $_size_execute0_lowered;
	s3 =	sadd.s32 s3, s5;
	[dreg:$0x0] =	wrdreg $0x0  }
0xa8: {  	s5 =	sshll.u32 s28, $0x1;
	[dreg:$0x2] =	wrdreg s3  }
0xa9: {  	[dreg:$0x3] =	wrdreg s5  }
0xaa: {  	[dreg:$0x4] =	wrdreg $0xC0  }
0xab: {  	_ =	task [dreg:s7], $0x5FFFF  }
0xac: {  	[dreg:$0x1] =	wrdreg $0xFFFFFFFF  }
0xad: {  	[dreg:$0x0] =	wrdreg $0x60  }
0xae: {  	[dreg:$0x2] =	wrdreg s24  }
0xaf: {  	[dreg:$0x3] =	wrdreg s2  }
0xb0: {  	[dreg:$0x4] =	wrdreg $0x0  }
0xb1: {  	[dreg:$0x5] =	wrdreg $0x9  }
0xb2: {  	_ =	task.clear_ibuf [dreg:s7], $0x6FFFF;
	_ =	strace $0x90000046  }
0xb3: {  	s29 =	simm.s32 $0x9;
	_ =	strace $0x80000048  }
0xb4: {  	_ =	swait.ge [sflag:s29], $0x1  }
0xb5: {  	[sflag:s29] =	ssyncadd.s32 $0xFFFFFFFF  }
0xb6: {  	_ =	strace $0x90000048  }
0xb7: {  	_ =	sfence  }
0xb8: {  	s30 =	sld [smem:$0x0];
	_ =	sdelay $0x2  }
0xb9: {  	s31 =	sshll.u32 s1, $0xD;
	s1 =	sshrl.u32 s1, $0x2  }
0xba: {  	s3 =	sand.u32 $0x4000, s31;
	s1 =	sadd.s32 s1, s30  }
0xbb: {  	s0 =	sor.u32 s3, s0;
	s1 =	sshll.u32 s1, $0x11  }
0xbc: {  	s0 =	sor.u32 s1, s0  }
0xbd: {  	s0 =	sadd.s32 $0x8F2B, s0  }
0xbe: {  	[sflag:s0] =	ssyncadd.remote.s32 $0x1  }
0xbf: {  	_ =	sfence.sel $0xFFFF  }
0xc0: {  	[dreg:$0x0] =	wrdreg $0xFFFFFFFF;
	(pc) =	sbr.abs _section_cstart, $3  }
0xc1: {  	[dreg:$0x1] =	wrdreg $0xFFFFFFFF  }
0xc2: {  	_ =	task.clear_ibuf [dreg:s7], $0x2FFFF;
	_ =	strace $0x9FFFFFFF  }
0xc3: {  	(tm) =	ssettm $0x7FFFFFFF  }
tec
execute0_lowered:
.L_overlay_start_1:
0x0: {  	(tag) =	ssettag $0x1  }
0x1: {  	s6 =	rddreg [dreg:$0x0]  }
0x2: {  	s2 =	rddreg [dreg:$0x1]  }
0x3: {  	s0 =	srdreg.scid;
	s3 =	rddreg [dreg:$0x2]  }
0x4: {  	s4 =	simm.s32 $0x0;
	s15 =	simm.s32 $0x40;
	s18 =	simm.s32 $0x0  }
0x5: {  	s5 =	sand.u32 $0x1, s0;
	s0 =	stileid.u32;
	[smem:$0x7FF] =	sst s4  }
0x6: {  	s12 =	sadd.s32 $0x3EE00, s6;
	s16 =	sadd.s32 $0x128400, s3;
	s8 =	smul.u32 $0x13C00, s0  }
0x7: {  	s1 =	sshll.u32 s5, $0x4;
	s10 =	ssub.s32 $0x2, s5;
	s11 =	smul.u32 $0x4F000, s0  }
0x8: {  	s13 =	smul.u32 $0x138800, s5;
	s31 =	sshll.u32 s0, $0x6;
	p0 =	seq.s32 s0, $0xF  }
0x9: {  	s1 =	sor.u32 s0, s1;
	s26 =	sshrl.u32 s10, $0x1;
	s16 =	sshrl.u32 @p0 s16, $0x3  }
0xa: {  	s7 =	smul.u32 $0xA00, s1;
	s1 =	rddreg [dreg:$0x3];
	_ =	strace $0x80000047  }
0xb: {  	s9 =	sshrl.u32 s8, $0x3;
	s10 =	ssub.s32 s10, s26;
	s28 =	sshrl.u32 s11, $0x2  }
0xc: {  	s29 =	sadd.s32 s8, s13;
	s30 =	sshrl.u32 s13, $0x3;
	s11 =	simm.s32 $0x1  }
0xd: {  	s13 =	sor.u32 $0x1C01, s31;
	s9 =	sadd.s32 s9, s6;
	s17 =	sadd.s32 s28, s3  }
0xe: {  	s8 =	sadd.s32 s12, s30;
	s7 =	sadd.s32 s7, s6;
	s6 =	sadd.s32 $0x17600, s9  }
0xf: {  	s8 =	sadd.s32 $0x25080, s8;
	s9 =	smax.u32 s10, $0x1;
	s10 =	simm.s32 $0x13C00  }
0x10: {  	s14 =	sshrl.u32 s17, $0x3;
	s5 =	sadd.s32 $0x3600, s7;
	s7 =	sshrl.u32 s29, $0x3  }
0x11: {  	s17 =	sshrl.u32 @!p0 s17, $0x3;
	s7 =	sadd.s32 s12, s7;
	s12 =	simm.s32 $0x18C00  }
.LBB2_1:
0x12: {  	[tilespmem:s10], [sflag:$0x1] =	stream.linear.gather [hbm4b:s5+s4], $0x5000, $0x38;
	[tilespmem:$0x1AC00] =	vst v63  }
0x13: {  	_ =	swait.ge [sflag:s11], $0x5000  }
0x14: {  	[sflag:s11] =	ssyncset.done $0x0  }
0x15: {  	[sflag:s11] =	ssyncadd.s32 $0xFFFFB000  }
0x16: {  	[tilespmem:s12], [sflag:$0x1] =	stream.linear.gather [hbm4b:s2+s4], $0x2000, $0x38;
	[tilespmem:$0x1AC00] =	vst v63  }
0x17: {  	_ =	swait.ge [sflag:s11], $0x2000  }
0x18: {  	[sflag:s11] =	ssyncset.done $0x0  }
0x19: {  	[sflag:s11] =	ssyncadd.s32 $0xFFFFE000  }
0x1a: {  	[spmem:s14], [sflag:s13] =	dma.local [hbm:s6], $0x2780  }
0x1b: {  	_ =	swait.ge [sflag:s11], $0x2780  }
0x1c: {  	[sflag:s11] =	ssyncset.done $0x0  }
0x1d: {  	[sflag:s11] =	ssyncadd.s32 $0xFFFFD880  }
0x1e: {  	s19 =	simm.s32 $0x13C00;
	[bflag:$0x0] =	sbarrier.arrive $0xFFFF  }
0x1f: {  	[spmem:s3] =	stream.indirect.scatter.add.f32 [tilespmem:s12], [sflag:$0x1], $0x80, s19, s15, $0xb8;
	[tilespmem:$0x1AC00] =	vst v63  }
0x20: {  	s19 =	simm.s32 $0x200;
	_ =	swait.ge [sflag:s11], $0x2000  }
.LBB2_2:
0x21: {  	s20 =	sshra.s32 s19, $0x2;
	[sflag:s11] =	ssyncset.done $0x0;
	p1 =	sne.s32 s19, $0x13E00  }
.Ltmp0:
0x22: {  	s20 =	sadd.s32 $0x13C00, s20;
	[sflag:s11] =	ssyncadd.s32 $0xFFFFE000;
	(pc) =	sbr.rel @p1 .LBB2_2-.Ltmp0, $3  }
0x23: {  	[spmem:s3] =	stream.indirect.scatter.add.f32 [tilespmem:s12], [sflag:$0x1], $0x80, s20, s15, $0xb8;
	[tilespmem:$0x1AC00] =	vst v63  }
0x24: {  	s19 =	sadd.s32 $0x200, s19;
	_ =	sdelay $0x1  }
0x25: {  	_ =	swait.ge [sflag:s11], $0x2000  }
0x26: {  	[sflag:s11] =	ssyncset.done $0x0  }
0x27: {  	[sflag:s11] =	ssyncadd.s32 $0xFFFFE000  }
0x28: {  	s19 =	simm.s32 @p0 $0x1;
	[bflag:$0x0] =	sbarrier.arrive $0xFFFF  }
0x29: {  	[hbm:s8], [sflag:s13] =	dma.local @p0 [spmem:s16], $0x2080  }
0x2a: {  	s18 =	sadd.s32 $0x1, s18;
	_ =	swait.ge @p0 [sflag:s19], $0x2080  }
0x2b: {  	p1 =	sne.s32 s18, s9;
	[sflag:s19] =	ssyncset.done @p0 $0x0  }
.Ltmp1:
0x2c: {  	[sflag:s19] =	ssyncadd.s32 @p0 $0xFFFFDF80;
	s19 =	simm.s32 @!p0 $0x1;
	(pc) =	sbr.rel @p1 .LBB2_1-.Ltmp1, $4  }
0x2d: {  	[hbm:s7], [sflag:s13] =	dma.local @!p0 [spmem:s17], $0x2780  }
0x2e: {  	_ =	swait.ge @!p0 [sflag:s19], $0x2780  }
0x2f: {  	[sflag:s19] =	ssyncset.done @!p0 $0x0  }
0x30: {  	[sflag:s19] =	ssyncadd.s32 @!p0 $0xFFFFD880  }
0x31: {  	_ =	sfence.sel $0x180000  }
0x32: {  	[bflag:$0x0] =	sbarrier.arrive $0xFFFF  }
0x33: {  	p0 =	sne.s32 s0, $0x0;
	_ =	strace $0x90000047  }
0x34: {  	s0 =	sadd.s32 @!p0 $0x100000, s1;
	[bflag:$0x2] =	sbarrier.arrive $0xFFFF  }
0x35: {  	[sflag:s0] =	ssyncadd.tile.s32 @!p0 $0x1;
	_ =	shalt  }
.Lfunc_end2:
_tile_overlayer_lowered:
.L_overlay_start_2:
0x36: {  	(tag) =	ssettag $0x2  }
0x37: {  	s0 =	rddreg [dreg:$0x0];
	s2 =	stileid.u32  }
0x38: {  	s1 =	rddreg [dreg:$0x1];
	p0 =	sne.s32 s2, $0x0  }
0x39: {  	s3 =	rddreg [dreg:$0x2];
	[bflag:$0x3] =	sbarrier.arrive $0xFFFF;
	s2 =	simm.s32 @!p0 $0x1C01  }
0x3a: {  	[timem:s3], [sflag:s2] =	dma.local @!p0 [hbm:s0], s1  }
0x3b: {  	s0 =	simm.s32 @!p0 $0x1  }
0x3c: {  	_ =	swait.ge @!p0 [sflag:s0], s1  }
0x3d: {  	s1 =	ssub.s32 @!p0 $0x0, s1;
	[sflag:s0] =	ssyncset.done @!p0 $0x0  }
0x3e: {  	[sflag:s0] =	ssyncadd.s32 @!p0 s1  }
0x3f: {  	[bflag:$0x3] =	sbarrier.arrive $0xFFFF  }
0x40: {  	_ =	shalt  }

// kernel: kernel.13.cloned.1.call-start
scs
__scs_entry_jumppad:
0x0: {  	(pc) =	sbr.rel $0x88, $3  }
0x1: {  	(tag) =	ssettag $0x0;
	lr =	simm.s32 $0x1  }
0x2: {  	[smem:$0x3F97] =	sst lr;
	_ =	strace $0xD0000000  }
0x3: {  	_ = 	snop  }
0x4: {  	_ = 	snop  }
0x5: {  	_ = 	snop  }
0x6: {  	_ = 	snop  }
0x7: {  	_ = 	snop  }
__scs_overlays_trampoline_lowered:
0x8: {  	[smem:$0x3FA6] =	sst s0  }
0x9: {  	[smem:$0x3FA7] =	sst s1  }
0xa: {  	[smem:$0x3FA8] =	sst s2  }
0xb: {  	[smem:$0x3FA9] =	sst s3  }
0xc: {  	[smem:$0x3FAA] =	sst s4  }
0xd: {  	[smem:$0x3FAB] =	sst s5  }
0xe: {  	[smem:$0x3FAC] =	sst s6  }
0xf: {  	[smem:$0x3FAD] =	sst s7  }
0x10: {  	[smem:$0x3FAE] =	sst s8  }
0x11: {  	[smem:$0x3FAF] =	sst s9;
	s0 =	simm.s32 @!p0 $0x0  }
0x12: {  	s1 =	sld [smem:$0x3F95];
	s0 =	simm.s32 @p0 $0x1  }
0x13: {  	[smem:$0x3FB0] =	sst s0;
	s0 =	simm.s32 @!p1 $0x0  }
0x14: {  	s2 =	sld [smem:$0x3F94];
	s0 =	simm.s32 @p1 $0x1  }
0x15: {  	[smem:$0x3FB1] =	sst s0;
	s0 =	simm.s32 @!p2 $0x0  }
0x16: {  	s3 =	sld [smem:$0x3FDB];
	s0 =	simm.s32 @p2 $0x1  }
0x17: {  	s4 =	simm.s32 $0x1BF5;
	[smem:$0x3FB3] =	sst s0  }
0x18: {  	s0 =	sld [smem:$0x3F96];
	_ =	swait.ge [sflag:s4], $0x0  }
0x19: {  	s7 =	sld [smem:$0x3F97]  }
0x1a: {  	s8 =	sadd.s32 $0xFFFFE003, lr  }
0x1b: {  	s9 =	sadd.s32 $0xFFFFFEF7, lr;
	s5 =	simm.s32 $0xFFFFFFFF;
	p2 =	slt.u32 s8, $0xFFFFF086  }
0x1c: {  	p1 =	slt.u32 s9, $0xF7A;
	s5 =	simm.s32 @!p2 $0x0  }
0x1d: {  	s5 =	simm.s32 @p1 $0x1;
	p0 =	seq.s32 s7, s2  }
0x1e: {  	s7 =	smul.u32 @!p0 $0xF7A, s2;
	p2 =	seq.s32 @!p0 s5, $0x0  }
0x1f: {  	s9 =	smul.u32 $0xF7A, s1;
	s8 =	simm.s32 @!p0 $0x1BF5;
	p2 =	por !p2, p0  }
0x20: {  	[sflag:s8] =	ssyncset.s32 @!p0 $0xFFFFF086;
	s6 =	sadd.s32 @!p0 s3, s7;
	s7 =	simm.s32 @!p0 $0x108  }
0x21: {  	s3 =	sadd.s32 s3, s9;
	s6 =	sadd.s32 @!p0 $0x88, s6;
	s7 =	simm.s32 @p2 $0x1082  }
0x22: {  	[simem:s7], [sflag:s8] =	dma.local @!p0 [hbm:s6], $0xF7A  }
0x23: {  	s9 =	sor.u32 $0xD0000000, s2;
	s6 =	simm.s32 $0x108;
	_ =	swait.ge @!p0 [sflag:s8], $0x0  }
0x24: {  	s3 =	sadd.s32 $0x88, s3;
	s6 =	simm.s32 @!p1 $0x1082;
	[sflag:s4] =	ssyncset.s32 $0xFFFFF086  }
0x25: {  	[simem:s6], [sflag:s4] =	dma.local [hbm:s3], $0xF7A  }
0x26: {  	[smem:$0x3F97] =	sst s1;
	(tag) =	ssettag s2;
	_ =	strace s9  }
0x27: {  	s1 =	sld [smem:$0x3FA7]  }
0x28: {  	s2 =	sld [smem:$0x3FA8]  }
0x29: {  	s4 =	sld [smem:$0x3FAA]  }
0x2a: {  	p0 =	seq.s32 s5, $0x0;
	s5 =	sld [smem:$0x3FAB]  }
0x2b: {  	s6 =	sld [smem:$0x3FAC]  }
0x2c: {  	s7 =	sld [smem:$0x3FAD]  }
0x2d: {  	s3 =	simm.s32 $0x108;
	s8 =	sld [smem:$0x3FAE]  }
0x2e: {  	s3 =	simm.s32 @!p0 $0x1082;
	s9 =	sld [smem:$0x3FAF]  }
0x2f: {  	lr =	sadd.s32 s0, s3;
	s0 =	sld [smem:$0x3FA6]  }
0x30: {  	s3 =	sld [smem:$0x3FA9]  }
0x31: {  	[smem:$0x3FB2] =	sst s10  }
0x32: {  	s10 =	sld [smem:$0x3FB0];
	_ =	sdelay $0x3  }
0x33: {  	p0 =	seq.s32 s10, $0x1;
	s10 =	sld [smem:$0x3FB2];
	_ =	sdelay $0x3  }
0x34: {  	[smem:$0x3FB2] =	sst s10  }
0x35: {  	s10 =	sld [smem:$0x3FB1];
	_ =	sdelay $0x3  }
0x36: {  	p1 =	seq.s32 s10, $0x1;
	s10 =	sld [smem:$0x3FB2];
	_ =	sdelay $0x3  }
0x37: {  	[smem:$0x3FB2] =	sst s10  }
0x38: {  	s10 =	sld [smem:$0x3FB3]  }
0x39: {  	_ = 	snop;
	(pc) =	sbr.ind lr, $3  }
0x3a: {  	_ = 	snop  }
0x3b: {  	_ = 	snop  }
0x3c: {  	p2 =	seq.s32 s10, $0x1;
	s10 =	sld [smem:$0x3FB2]  }
0x3d: {  	_ =	shalt  }
0x3e: {  	_ =	shalt  }
0x3f: {  	_ =	shalt  }
0x40: {  	_ =	shalt  }
0x41: {  	_ =	shalt  }
0x42: {  	_ =	shalt  }
0x43: {  	_ =	shalt  }
0x44: {  	_ =	shalt  }
0x45: {  	_ =	shalt  }
0x46: {  	_ =	shalt  }
0x47: {  	_ =	shalt  }
0x48: {  	_ =	shalt  }
0x49: {  	_ =	shalt  }
0x4a: {  	_ =	shalt  }
0x4b: {  	_ =	shalt  }
0x4c: {  	_ =	shalt  }
0x4d: {  	_ =	shalt  }
0x4e: {  	_ =	shalt  }
0x4f: {  	_ =	shalt  }
0x50: {  	_ =	shalt  }
0x51: {  	_ =	shalt  }
0x52: {  	_ =	shalt  }
0x53: {  	_ =	shalt  }
0x54: {  	_ =	shalt  }
0x55: {  	_ =	shalt  }
0x56: {  	_ =	shalt  }
0x57: {  	_ =	shalt  }
0x58: {  	_ =	shalt  }
0x59: {  	_ =	shalt  }
0x5a: {  	_ =	shalt  }
0x5b: {  	_ =	shalt  }
0x5c: {  	_ =	shalt  }
0x5d: {  	_ =	shalt  }
0x5e: {  	_ =	shalt  }
0x5f: {  	_ =	shalt  }
0x60: {  	_ =	shalt  }
0x61: {  	_ =	shalt  }
0x62: {  	_ =	shalt  }
0x63: {  	_ =	shalt  }
0x64: {  	_ =	shalt  }
0x65: {  	_ =	shalt  }
0x66: {  	_ =	shalt  }
0x67: {  	_ =	shalt  }
0x68: {  	_ =	shalt  }
0x69: {  	_ =	shalt  }
0x6a: {  	_ =	shalt  }
0x6b: {  	_ =	shalt  }
0x6c: {  	_ =	shalt  }
0x6d: {  	_ =	shalt  }
0x6e: {  	_ =	shalt  }
0x6f: {  	_ =	shalt  }
0x70: {  	_ =	shalt  }
0x71: {  	_ =	shalt  }
0x72: {  	_ =	shalt  }
0x73: {  	_ =	shalt  }
0x74: {  	_ =	shalt  }
0x75: {  	_ =	shalt  }
0x76: {  	_ =	shalt  }
0x77: {  	_ =	shalt  }
0x78: {  	_ =	shalt  }
0x79: {  	_ =	shalt  }
0x7a: {  	_ =	shalt  }
0x7b: {  	_ =	shalt  }
0x7c: {  	_ =	shalt  }
0x7d: {  	_ =	shalt  }
0x7e: {  	_ =	shalt  }
0x7f: {  	_ =	shalt  }
0x80: {  	_ =	shalt  }
0x81: {  	_ =	shalt  }
0x82: {  	_ =	shalt  }
0x83: {  	_ =	shalt  }
0x84: {  	_ =	shalt  }
0x85: {  	_ =	shalt  }
0x86: {  	_ =	shalt  }
0x87: {  	_ =	shalt  }
.Lfunc_end0:
.L_simem_size_0:
called_computation.1_lowered:
.L_overlay_start_0:
0x88: {  	s2 =	sld [smem:$0x3FD9]  }
0x89: {  	s3 =	sld [smem:$0x3FFE];
	_ =	sdelay $0x1  }
0x8a: {  	s1 =	srdreg.scid  }
0x8b: {  	s0 =	sand.u32 $0x1, s1  }
0x8c: {  	s16 =	sshll.u32 s0, $0xA;
	s2 =	sadd.s32 s3, s2  }
0x8d: {  	s2 =	sadd.s32 s2, s16  }
0x8e: {  	[smem:$0x3FBE] =	sst s2  }
0x8f: {  	_ = 	snop  }
0x90: {  	(tm) =	ssettm $0x1  }
0x91: {  	s17 =	sld [smem:$0x3FFB];
	_ =	sdelay $0x3  }
0x92: {  	_ =	strace s17  }
0x93: {  	s2 =	sld [smem:$0x3FFC];
	_ =	sdelay $0x3  }
0x94: {  	_ =	strace s2  }
0x95: {  	s2 =	sld [smem:$0x3FFD];
	_ =	sdelay $0x3  }
0x96: {  	_ =	strace s2  }
0x97: {  	_ =	strace $0x8FFFFFFF  }
0x98: {  	s18 =	sld [smem:$0x3FDB];
	_ =	sdelay $0x1  }
0x99: {  	s19 =	simm.s32 $_scs_section_size  }
0x9a: {  	s4 =	simm.s32 $_size__tile_overlayer_lowered;
	s5 =	simm.s32 $_tile_overlayer_lowered  }
0x9b: {  	s22 =	simm.s32 $0x1BFF;
	s21 =	sshll.u32 s5, $0x1;
	s2 =	sadd.s32 s19, s18  }
0x9c: {  	s6 =	simm.s32 $0x0;
	s20 =	sshll.u32 s4, $0x1;
	s4 =	sadd.s32 s21, s2  }
0x9d: {  	[timem:s6], [sflag:s22] =	dma.local [hbm:s4], s20  }
0x9e: {  	_ =	swait.ge [sflag:s22], s20  }
0x9f: {  	s3 =	ssub.s32 $0x0, s20;
	[sflag:s22] =	ssyncset.done $0x0  }
0xa0: {  	[sflag:s22] =	ssyncadd.s32 s3;
	_ =	sdelay $0x1  }
0xa1: {  	s23 =	simm.s32 $0x1B8B  }
0xa2: {  	_ =	swait.ge [sflag:s23], $0x1  }
0xa3: {  	[sflag:s23] =	ssyncset.done $0x0  }
0xa4: {  	s25 =	simm.s32 $0x1B8E;
	s24 =	sld [smem:$0x3FFE];
	[sflag:s23] =	ssyncadd.s32 $0xFFFFFFFF  }
0xa5: {  	s26 =	simm.s32 $execute0_lowered;
	[smem:$0x3FD2] =	sst s25  }
0xa6: {  	s4 =	sshll.u32 s26, $0x1;
	_ =	strace $0x80000049;
	[dreg:$0x1] =	wrdreg $0xFFFFFFFF  }
0xa7: {  	s28 =	simm.s32 $_size_execute0_lowered;
	s2 =	sadd.s32 s2, s4;
	[dreg:$0x0] =	wrdreg $0x0  }
0xa8: {  	s4 =	sshll.u32 s28, $0x1;
	[dreg:$0x2] =	wrdreg s2  }
0xa9: {  	[dreg:$0x3] =	wrdreg s4  }
0xaa: {  	[dreg:$0x4] =	wrdreg $0xC0  }
0xab: {  	_ =	task [dreg:s6], $0x5FFFF  }
0xac: {  	[dreg:$0x1] =	wrdreg $0xFFFFFFFF  }
0xad: {  	[dreg:$0x0] =	wrdreg $0x60  }
0xae: {  	[dreg:$0x2] =	wrdreg s24  }
0xaf: {  	[dreg:$0x3] =	wrdreg $0x0  }
0xb0: {  	[dreg:$0x4] =	wrdreg $0x9  }
0xb1: {  	_ =	task.clear_ibuf [dreg:s6], $0x5FFFF;
	_ =	strace $0x90000049  }
0xb2: {  	s29 =	simm.s32 $0x9;
	_ =	strace $0x8000004B  }
0xb3: {  	_ =	swait.ge [sflag:s29], $0x1  }
0xb4: {  	[sflag:s29] =	ssyncadd.s32 $0xFFFFFFFF  }
0xb5: {  	_ =	strace $0x9000004B  }
0xb6: {  	_ =	sfence  }
0xb7: {  	s30 =	sld [smem:$0x0];
	_ =	sdelay $0x2  }
0xb8: {  	s31 =	sshll.u32 s1, $0xD;
	s1 =	sshrl.u32 s1, $0x2  }
0xb9: {  	s3 =	sand.u32 $0x4000, s31;
	s1 =	sadd.s32 s1, s30  }
0xba: {  	s0 =	sor.u32 s3, s0;
	s1 =	sshll.u32 s1, $0x11  }
0xbb: {  	s0 =	sor.u32 s1, s0  }
0xbc: {  	s0 =	sadd.s32 $0x8F2B, s0  }
0xbd: {  	[sflag:s0] =	ssyncadd.remote.s32 $0x1  }
0xbe: {  	_ =	sfence.sel $0xFFFF  }
0xbf: {  	[dreg:$0x0] =	wrdreg $0xFFFFFFFF;
	(pc) =	sbr.abs _section_cstart, $3  }
0xc0: {  	[dreg:$0x1] =	wrdreg $0xFFFFFFFF  }
0xc1: {  	_ =	task.clear_ibuf [dreg:s6], $0x2FFFF;
	_ =	strace $0x9FFFFFFF  }
0xc2: {  	(tm) =	ssettm $0x7FFFFFFF  }
0xc3: {  	_ =	shalt  }
tec
execute0_lowered:
.L_overlay_start_1:
0x0: {  	(tag) =	ssettag $0x1  }
0x1: {  	s6 =	rddreg [dreg:$0x0]  }
0x2: {  	s0 =	srdreg.scid;
	s2 =	rddreg [dreg:$0x1]  }
0x3: {  	s3 =	simm.s32 $0x0;
	s17 =	simm.s32 $0x40;
	s18 =	simm.s32 $0x1B400  }
0x4: {  	s19 =	simm.s32 $0x13C40;
	s20 =	simm.s32 $0x1D400;
	s21 =	simm.s32 $0x1  }
0x5: {  	s22 =	simm.s32 $0x2;
	s23 =	simm.s32 $0x1B300;
	s24 =	simm.s32 $0x1B380  }
0x6: {  	s26 =	simm.s32 $0x0;
	s5 =	sand.u32 $0x1, s0;
	s0 =	stileid.u32  }
0x7: {  	[smem:$0x7FF] =	sst s3;
	s14 =	sadd.s32 $0x97000, s6;
	s9 =	smul.u32 $0x13C00, s0  }
0x8: {  	s25 =	sadd.s32 $0x128400, s2;
	s1 =	sshll.u32 s5, $0x4;
	s13 =	smul.u32 $0x4F000, s0  }
0x9: {  	_ =	strace $0x8000004A;
	s11 =	ssub.s32 $0x2, s5;
	s29 =	smul.u32 $0x138800, s5  }
0xa: {  	s15 =	sshll.u32 s0, $0x6;
	p0 =	seq.s32 s0, $0xF;
	s4 =	sor.u32 s0, s1  }
0xb: {  	s12 =	sshrl.u32 s11, $0x1;
	s15 =	sor.u32 $0x1C03, s15;
	s7 =	smul.u32 $0x500, s4  }
0xc: {  	s25 =	sshrl.u32 @p0 s25, $0x3;
	s8 =	smul.u32 $0xA00, s4;
	s4 =	sadd.s32 $0x3EE00, s6  }
0xd: {  	s10 =	sshrl.u32 s9, $0x3;
	s11 =	ssub.s32 s11, s12;
	s30 =	sshrl.u32 s13, $0x2  }
0xe: {  	s9 =	sadd.s32 s9, s29;
	s12 =	sshrl.u32 s29, $0x3;
	s13 =	simm.s32 $0x3  }
0xf: {  	s10 =	sadd.s32 s10, s6;
	s9 =	sshrl.u32 s9, $0x3;
	s31 =	sadd.s32 s14, s12  }
0x10: {  	s11 =	smax.u32 s11, $0x1;
	s12 =	simm.s32 $0x13C00;
	s7 =	sadd.s32 s7, s6  }
0x11: {  	s8 =	sadd.s32 s8, s6;
	s9 =	sadd.s32 s14, s9;
	s14 =	simm.s32 $0x16400  }
0x12: {  	s5 =	sadd.s32 $0x8D000, s7;
	s6 =	sadd.s32 $0x3600, s8;
	s7 =	sadd.s32 s30, s2  }
0x13: {  	s8 =	sadd.s32 $0x17600, s10;
	s10 =	sadd.s32 $0x25080, s31;
	s16 =	sshrl.u32 s7, $0x3  }
.LBB2_1:
0x14: {  	[tilespmem:s12], [sflag:$0x3] =	stream.linear.gather [hbm4b:s5+s3], $0x2800, $0x38;
	[tilespmem:$0x1F400] =	vst v63  }
0x15: {  	_ =	swait.ge [sflag:s13], $0x2800  }
0x16: {  	[sflag:s13] =	ssyncset.done $0x0  }
0x17: {  	[sflag:s13] =	ssyncadd.s32 $0xFFFFD800  }
0x18: {  	[tilespmem:s14], [sflag:$0x3] =	stream.linear.gather [hbm4b:s6+s3], $0x5000, $0x38;
	[tilespmem:$0x1F400] =	vst v63  }
0x19: {  	_ =	swait.ge [sflag:s13], $0x5000  }
0x1a: {  	[sflag:s13] =	ssyncset.done $0x0  }
0x1b: {  	[sflag:s13] =	ssyncadd.s32 $0xFFFFB000  }
0x1c: {  	[spmem:s16], [sflag:s15] =	dma.local [hbm:s8], $0x2780  }
0x1d: {  	_ =	swait.ge [sflag:s13], $0x2780  }
0x1e: {  	[sflag:s13] =	ssyncset.done $0x0  }
0x1f: {  	[sflag:s13] =	ssyncadd.s32 $0xFFFFD880  }
0x20: {  	[bflag:$0x0] =	sbarrier.arrive $0xFFFF  }
0x21: {  	[tilespmem:s18], [sflag:$0x1] =	stream.indirect.gather [hbm4b:s4+s17], $0x80, s12, s17, $0xb8;
	[tilespmem:$0x1F400] =	vst v63  }
0x22: {  	_ = 	snop  }
0x23: {  	[tilespmem:s20], [sflag:$0x2] =	stream.indirect.gather [hbm4b:s4+s17], $0x80, s19, s17, $0xb8;
	[tilespmem:$0x1F400] =	vst v63  }
0x24: {  	_ =	swait.ge [sflag:s21], $0x2000  }
0x25: {  	[sflag:s21] =	ssyncset.done $0x0  }
0x26: {  	s28 =	simm.s32 $0x16400;
	[sflag:s21] =	ssyncadd.s32 $0xFFFFE000  }
0x27: {  	[spmem:s2] =	stream.indirect.scatter.add.f32 [tilespmem:s18], [sflag:$0x3], $0x80, s28, s17, $0xb8;
	[tilespmem:$0x1F400] =	vst v63  }
0x28: {  	_ =	swait.ge [sflag:s13], $0x2000  }
0x29: {  	[sflag:s13] =	ssyncset.done $0x0  }
0x2a: {  	s28 =	simm.s32 $0x13C80;
	[sflag:s13] =	ssyncadd.s32 $0xFFFFE000  }
0x2b: {  	[tilespmem:s18], [sflag:$0x1] =	stream.indirect.gather [hbm4b:s4+s17], $0x80, s28, s17, $0xb8;
	[tilespmem:$0x1F400] =	vst v63  }
0x2c: {  	_ =	swait.ge [sflag:s22], $0x2000  }
0x2d: {  	[sflag:s22] =	ssyncset.done $0x0  }
0x2e: {  	s28 =	simm.s32 $0x16480;
	[sflag:s22] =	ssyncadd.s32 $0xFFFFE000  }
0x2f: {  	[spmem:s2] =	stream.indirect.scatter.add.f32 [tilespmem:s20], [sflag:$0x3], $0x80, s28, s17, $0xb8;
	[tilespmem:$0x1F400] =	vst v63  }
0x30: {  	_ =	swait.ge [sflag:s13], $0x2000  }
0x31: {  	s29 =	simm.s32 $0x400;
	[sflag:s13] =	ssyncset.done $0x0  }
0x32: {  	s30 =	simm.s32 $0x13D40;
	s28 =	simm.s32 $0x13CC0;
	[sflag:s13] =	ssyncadd.s32 $0xFFFFE000  }
.LBB2_2:
0x33: {  	[tilespmem:s20], [sflag:$0x2] =	stream.indirect.gather [hbm4b:s4+s17], $0x80, s28, s17, $0xb8;
	[tilespmem:$0x1F400] =	vst v63  }
0x34: {  	s31 =	smov.u32 s29;
	s28 =	smov.u32 s30  }
0x35: {  	p1 =	sne.s32 s29, $0x13800;
	s29 =	sadd.s32 $0x400, s29;
	_ =	swait.ge [sflag:s21], $0x2000  }
0x36: {  	s31 =	sshra.s32 s31, $0x2;
	[sflag:s21] =	ssyncset.done $0x0  }
0x37: {  	s1 =	sadd.s32 $0x16400, s31;
	[sflag:s21] =	ssyncadd.s32 $0xFFFFE000  }
0x38: {  	[spmem:s2] =	stream.indirect.scatter.add.f32 [tilespmem:s18], [sflag:$0x3], $0x80, s1, s17, $0xb8;
	[tilespmem:$0x1F400] =	vst v63  }
0x39: {  	_ =	swait.ge [sflag:s13], $0x2000  }
0x3a: {  	[sflag:s13] =	ssyncset.done $0x0  }
0x3b: {  	s1 =	sadd.s32 $0xFFFFFFC0, s30;
	[sflag:s13] =	ssyncadd.s32 $0xFFFFE000  }
0x3c: {  	[tilespmem:s18], [sflag:$0x1] =	stream.indirect.gather [hbm4b:s4+s17], $0x80, s1, s17, $0xb8;
	[tilespmem:$0x1F400] =	vst v63  }
0x3d: {  	_ =	swait.ge [sflag:s22], $0x2000  }
0x3e: {  	[sflag:s22] =	ssyncset.done $0x0  }
.Ltmp0:
0x3f: {  	s1 =	sadd.s32 $0x16480, s31;
	[sflag:s22] =	ssyncadd.s32 $0xFFFFE000;
	(pc) =	sbr.rel @p1 .LBB2_2-.Ltmp0, $4  }
0x40: {  	[spmem:s2] =	stream.indirect.scatter.add.f32 [tilespmem:s20], [sflag:$0x3], $0x80, s1, s17, $0xb8;
	[tilespmem:$0x1F400] =	vst v63  }
0x41: {  	_ =	swait.ge [sflag:s13], $0x2000  }
0x42: {  	[sflag:s13] =	ssyncset.done $0x0  }
0x43: {  	s30 =	sadd.s32 $0x80, s30;
	[sflag:s13] =	ssyncadd.s32 $0xFFFFE000  }
0x44: {  	[tilespmem:s20], [sflag:$0x2] =	stream.indirect.gather [hbm4b:s4+s17], $0x80, s28, s17, $0xb8;
	[tilespmem:$0x1F400] =	vst v63  }
0x45: {  	_ =	swait.ge [sflag:s21], $0x2000  }
0x46: {  	[sflag:s21] =	ssyncset.done $0x0  }
0x47: {  	[sflag:s21] =	ssyncadd.s32 $0xFFFFE000  }
0x48: {  	[spmem:s2] =	stream.indirect.scatter.add.f32 [tilespmem:s18], [sflag:$0x3], $0x80, s23, s17, $0xb8;
	[tilespmem:$0x1F400] =	vst v63  }
0x49: {  	_ =	swait.ge [sflag:s13], $0x2000  }
0x4a: {  	[sflag:s13] =	ssyncset.done $0x0  }
0x4b: {  	[sflag:s13] =	ssyncadd.s32 $0xFFFFE000  }
0x4c: {  	_ =	swait.ge [sflag:s22], $0x2000  }
0x4d: {  	[sflag:s22] =	ssyncset.done $0x0  }
0x4e: {  	[sflag:s22] =	ssyncadd.s32 $0xFFFFE000  }
0x4f: {  	[spmem:s2] =	stream.indirect.scatter.add.f32 [tilespmem:s20], [sflag:$0x3], $0x80, s24, s17, $0xb8;
	[tilespmem:$0x1F400] =	vst v63  }
0x50: {  	_ =	swait.ge [sflag:s13], $0x2000  }
0x51: {  	[sflag:s13] =	ssyncset.done $0x0  }
0x52: {  	[sflag:s13] =	ssyncadd.s32 $0xFFFFE000  }
0x53: {  	s1 =	simm.s32 @p0 $0x3;
	[bflag:$0x0] =	sbarrier.arrive $0xFFFF  }
0x54: {  	[hbm:s10], [sflag:s15] =	dma.local @p0 [spmem:s25], $0x2080  }
0x55: {  	_ =	swait.ge @p0 [sflag:s1], $0x2080  }
0x56: {  	s26 =	sadd.s32 $0x1, s26;
	[sflag:s1] =	ssyncset.done @p0 $0x0  }
0x57: {  	p1 =	sne.s32 s26, s11;
	[sflag:s1] =	ssyncadd.s32 @p0 $0xFFFFDF80;
	s1 =	sshrl.u32 @!p0 s7, $0x3  }
0x58: {  	[hbm:s9], [sflag:s15] =	dma.local @!p0 [spmem:s1], $0x2780  }
.Ltmp1:
0x59: {  	_ = 	snop;
	(pc) =	sbr.rel @p1 .LBB2_1-.Ltmp1, $4  }
0x5a: {  	s1 =	simm.s32 @!p0 $0x3  }
0x5b: {  	_ =	swait.ge @!p0 [sflag:s1], $0x2780  }
0x5c: {  	[sflag:s1] =	ssyncset.done @!p0 $0x0  }
0x5d: {  	[sflag:s1] =	ssyncadd.s32 @!p0 $0xFFFFD880  }
0x5e: {  	_ =	sfence.sel $0x180000  }
0x5f: {  	[bflag:$0x0] =	sbarrier.arrive $0xFFFF  }
0x60: {  	_ =	strace $0x9000004A  }
0x61: {  	[bflag:$0x2] =	sbarrier.arrive $0xFFFF  }
0x62: {  	p0 =	sne.s32 s0, $0x0;
	s0 =	rddreg [dreg:$0x2]  }
0x63: {  	s0 =	sadd.s32 @!p0 $0x100000, s0  }
0x64: {  	[sflag:s0] =	ssyncadd.tile.s32 @!p0 $0x1;
	_ =	shalt  }
.Lfunc_end2:
_tile_overlayer_lowered:
.L_overlay_start_2:
0x65: {  	(tag) =	ssettag $0x2  }
0x66: {  	s0 =	rddreg [dreg:$0x0];
	s2 =	stileid.u32  }
0x67: {  	s1 =	rddreg [dreg:$0x1];
	p0 =	sne.s32 s2, $0x0  }
0x68: {  	s3 =	rddreg [dreg:$0x2];
	[bflag:$0x3] =	sbarrier.arrive $0xFFFF;
	s2 =	simm.s32 @!p0 $0x1C03  }
0x69: {  	[timem:s3], [sflag:s2] =	dma.local @!p0 [hbm:s0], s1  }
0x6a: {  	s0 =	simm.s32 @!p0 $0x3  }
0x6b: {  	_ =	swait.ge @!p0 [sflag:s0], s1  }
0x6c: {  	s1 =	ssub.s32 @!p0 $0x0, s1;
	[sflag:s0] =	ssyncset.done @!p0 $0x0  }
0x6d: {  	[sflag:s0] =	ssyncadd.s32 @!p0 s1  }
0x6e: {  	[bflag:$0x3] =	sbarrier.arrive $0xFFFF  }
0x6f: {  	_ =	shalt  }

// kernel: kernel.16.cloned.1.call-start
scs
__scs_entry_jumppad:
0x0: {  	(pc) =	sbr.rel $0x88, $3  }
0x1: {  	(tag) =	ssettag $0x0;
	lr =	simm.s32 $0x1  }
0x2: {  	[smem:$0x3F97] =	sst lr;
	_ =	strace $0xD0000000  }
0x3: {  	_ = 	snop  }
0x4: {  	_ = 	snop  }
0x5: {  	_ = 	snop  }
0x6: {  	_ = 	snop  }
0x7: {  	_ = 	snop  }
__scs_overlays_trampoline_lowered:
0x8: {  	[smem:$0x3FA6] =	sst s0  }
0x9: {  	[smem:$0x3FA7] =	sst s1  }
0xa: {  	[smem:$0x3FA8] =	sst s2  }
0xb: {  	[smem:$0x3FA9] =	sst s3  }
0xc: {  	[smem:$0x3FAA] =	sst s4  }
0xd: {  	[smem:$0x3FAB] =	sst s5  }
0xe: {  	[smem:$0x3FAC] =	sst s6  }
0xf: {  	[smem:$0x3FAD] =	sst s7  }
0x10: {  	[smem:$0x3FAE] =	sst s8  }
0x11: {  	[smem:$0x3FAF] =	sst s9;
	s0 =	simm.s32 @!p0 $0x0  }
0x12: {  	s1 =	sld [smem:$0x3F95];
	s0 =	simm.s32 @p0 $0x1  }
0x13: {  	[smem:$0x3FB0] =	sst s0;
	s0 =	simm.s32 @!p1 $0x0  }
0x14: {  	s2 =	sld [smem:$0x3F94];
	s0 =	simm.s32 @p1 $0x1  }
0x15: {  	[smem:$0x3FB1] =	sst s0;
	s0 =	simm.s32 @!p2 $0x0  }
0x16: {  	s3 =	sld [smem:$0x3FDB];
	s0 =	simm.s32 @p2 $0x1  }
0x17: {  	s4 =	simm.s32 $0x1BF5;
	[smem:$0x3FB3] =	sst s0  }
0x18: {  	s0 =	sld [smem:$0x3F96];
	_ =	swait.ge [sflag:s4], $0x0  }
0x19: {  	s7 =	sld [smem:$0x3F97]  }
0x1a: {  	s8 =	sadd.s32 $0xFFFFE003, lr  }
0x1b: {  	s9 =	sadd.s32 $0xFFFFFEF7, lr;
	s5 =	simm.s32 $0xFFFFFFFF;
	p2 =	slt.u32 s8, $0xFFFFF086  }
0x1c: {  	p1 =	slt.u32 s9, $0xF7A;
	s5 =	simm.s32 @!p2 $0x0  }
0x1d: {  	s5 =	simm.s32 @p1 $0x1;
	p0 =	seq.s32 s7, s2  }
0x1e: {  	s7 =	smul.u32 @!p0 $0xF7A, s2;
	p2 =	seq.s32 @!p0 s5, $0x0  }
0x1f: {  	s9 =	smul.u32 $0xF7A, s1;
	s8 =	simm.s32 @!p0 $0x1BF5;
	p2 =	por !p2, p0  }
0x20: {  	[sflag:s8] =	ssyncset.s32 @!p0 $0xFFFFF086;
	s6 =	sadd.s32 @!p0 s3, s7;
	s7 =	simm.s32 @!p0 $0x108  }
0x21: {  	s3 =	sadd.s32 s3, s9;
	s6 =	sadd.s32 @!p0 $0x88, s6;
	s7 =	simm.s32 @p2 $0x1082  }
0x22: {  	[simem:s7], [sflag:s8] =	dma.local @!p0 [hbm:s6], $0xF7A  }
0x23: {  	s9 =	sor.u32 $0xD0000000, s2;
	s6 =	simm.s32 $0x108;
	_ =	swait.ge @!p0 [sflag:s8], $0x0  }
0x24: {  	s3 =	sadd.s32 $0x88, s3;
	s6 =	simm.s32 @!p1 $0x1082;
	[sflag:s4] =	ssyncset.s32 $0xFFFFF086  }
0x25: {  	[simem:s6], [sflag:s4] =	dma.local [hbm:s3], $0xF7A  }
0x26: {  	[smem:$0x3F97] =	sst s1;
	(tag) =	ssettag s2;
	_ =	strace s9  }
0x27: {  	s1 =	sld [smem:$0x3FA7]  }
0x28: {  	s2 =	sld [smem:$0x3FA8]  }
0x29: {  	s4 =	sld [smem:$0x3FAA]  }
0x2a: {  	p0 =	seq.s32 s5, $0x0;
	s5 =	sld [smem:$0x3FAB]  }
0x2b: {  	s6 =	sld [smem:$0x3FAC]  }
0x2c: {  	s7 =	sld [smem:$0x3FAD]  }
0x2d: {  	s3 =	simm.s32 $0x108;
	s8 =	sld [smem:$0x3FAE]  }
0x2e: {  	s3 =	simm.s32 @!p0 $0x1082;
	s9 =	sld [smem:$0x3FAF]  }
0x2f: {  	lr =	sadd.s32 s0, s3;
	s0 =	sld [smem:$0x3FA6]  }
0x30: {  	s3 =	sld [smem:$0x3FA9]  }
0x31: {  	[smem:$0x3FB2] =	sst s10  }
0x32: {  	s10 =	sld [smem:$0x3FB0];
	_ =	sdelay $0x3  }
0x33: {  	p0 =	seq.s32 s10, $0x1;
	s10 =	sld [smem:$0x3FB2];
	_ =	sdelay $0x3  }
0x34: {  	[smem:$0x3FB2] =	sst s10  }
0x35: {  	s10 =	sld [smem:$0x3FB1];
	_ =	sdelay $0x3  }
0x36: {  	p1 =	seq.s32 s10, $0x1;
	s10 =	sld [smem:$0x3FB2];
	_ =	sdelay $0x3  }
0x37: {  	[smem:$0x3FB2] =	sst s10  }
0x38: {  	s10 =	sld [smem:$0x3FB3]  }
0x39: {  	_ = 	snop;
	(pc) =	sbr.ind lr, $3  }
0x3a: {  	_ = 	snop  }
0x3b: {  	_ = 	snop  }
0x3c: {  	p2 =	seq.s32 s10, $0x1;
	s10 =	sld [smem:$0x3FB2]  }
0x3d: {  	_ =	shalt  }
0x3e: {  	_ =	shalt  }
0x3f: {  	_ =	shalt  }
0x40: {  	_ =	shalt  }
0x41: {  	_ =	shalt  }
0x42: {  	_ =	shalt  }
0x43: {  	_ =	shalt  }
0x44: {  	_ =	shalt  }
0x45: {  	_ =	shalt  }
0x46: {  	_ =	shalt  }
0x47: {  	_ =	shalt  }
0x48: {  	_ =	shalt  }
0x49: {  	_ =	shalt  }
0x4a: {  	_ =	shalt  }
0x4b: {  	_ =	shalt  }
0x4c: {  	_ =	shalt  }
0x4d: {  	_ =	shalt  }
0x4e: {  	_ =	shalt  }
0x4f: {  	_ =	shalt  }
0x50: {  	_ =	shalt  }
0x51: {  	_ =	shalt  }
0x52: {  	_ =	shalt  }
0x53: {  	_ =	shalt  }
0x54: {  	_ =	shalt  }
0x55: {  	_ =	shalt  }
0x56: {  	_ =	shalt  }
0x57: {  	_ =	shalt  }
0x58: {  	_ =	shalt  }
0x59: {  	_ =	shalt  }
0x5a: {  	_ =	shalt  }
0x5b: {  	_ =	shalt  }
0x5c: {  	_ =	shalt  }
0x5d: {  	_ =	shalt  }
0x5e: {  	_ =	shalt  }
0x5f: {  	_ =	shalt  }
0x60: {  	_ =	shalt  }
0x61: {  	_ =	shalt  }
0x62: {  	_ =	shalt  }
0x63: {  	_ =	shalt  }
0x64: {  	_ =	shalt  }
0x65: {  	_ =	shalt  }
0x66: {  	_ =	shalt  }
0x67: {  	_ =	shalt  }
0x68: {  	_ =	shalt  }
0x69: {  	_ =	shalt  }
0x6a: {  	_ =	shalt  }
0x6b: {  	_ =	shalt  }
0x6c: {  	_ =	shalt  }
0x6d: {  	_ =	shalt  }
0x6e: {  	_ =	shalt  }
0x6f: {  	_ =	shalt  }
0x70: {  	_ =	shalt  }
0x71: {  	_ =	shalt  }
0x72: {  	_ =	shalt  }
0x73: {  	_ =	shalt  }
0x74: {  	_ =	shalt  }
0x75: {  	_ =	shalt  }
0x76: {  	_ =	shalt  }
0x77: {  	_ =	shalt  }
0x78: {  	_ =	shalt  }
0x79: {  	_ =	shalt  }
0x7a: {  	_ =	shalt  }
0x7b: {  	_ =	shalt  }
0x7c: {  	_ =	shalt  }
0x7d: {  	_ =	shalt  }
0x7e: {  	_ =	shalt  }
0x7f: {  	_ =	shalt  }
0x80: {  	_ =	shalt  }
0x81: {  	_ =	shalt  }
0x82: {  	_ =	shalt  }
0x83: {  	_ =	shalt  }
0x84: {  	_ =	shalt  }
0x85: {  	_ =	shalt  }
0x86: {  	_ =	shalt  }
0x87: {  	_ =	shalt  }
.Lfunc_end0:
.L_simem_size_0:
called_computation.2_lowered:
.L_overlay_start_0:
0x88: {  	s2 =	sld [smem:$0x3FD9]  }
0x89: {  	s3 =	sld [smem:$0x3FFE];
	_ =	sdelay $0x1  }
0x8a: {  	s1 =	srdreg.scid  }
0x8b: {  	s0 =	sand.u32 $0x1, s1  }
0x8c: {  	s16 =	sshll.u32 s0, $0xA;
	s2 =	sadd.s32 s3, s2  }
0x8d: {  	s2 =	sadd.s32 s2, s16  }
0x8e: {  	[smem:$0x3FBE] =	sst s2  }
0x8f: {  	_ = 	snop  }
0x90: {  	(tm) =	ssettm $0x1  }
0x91: {  	s17 =	sld [smem:$0x3FFB];
	_ =	sdelay $0x3  }
0x92: {  	_ =	strace s17  }
0x93: {  	s2 =	sld [smem:$0x3FFC];
	_ =	sdelay $0x3  }
0x94: {  	_ =	strace s2  }
0x95: {  	s2 =	sld [smem:$0x3FFD];
	_ =	sdelay $0x3  }
0x96: {  	_ =	strace s2  }
0x97: {  	_ =	strace $0x8FFFFFFF  }
0x98: {  	s18 =	sld [smem:$0x3FDB];
	_ =	sdelay $0x1  }
0x99: {  	s19 =	simm.s32 $_scs_section_size  }
0x9a: {  	s4 =	simm.s32 $_size__tile_overlayer_lowered;
	s5 =	simm.s32 $_tile_overlayer_lowered  }
0x9b: {  	s22 =	simm.s32 $0x1BFF;
	s21 =	sshll.u32 s5, $0x1;
	s2 =	sadd.s32 s19, s18  }
0x9c: {  	s6 =	simm.s32 $0x0;
	s20 =	sshll.u32 s4, $0x1;
	s4 =	sadd.s32 s21, s2  }
0x9d: {  	[timem:s6], [sflag:s22] =	dma.local [hbm:s4], s20  }
0x9e: {  	_ =	swait.ge [sflag:s22], s20  }
0x9f: {  	s3 =	ssub.s32 $0x0, s20;
	[sflag:s22] =	ssyncset.done $0x0  }
0xa0: {  	[sflag:s22] =	ssyncadd.s32 s3;
	_ =	sdelay $0x1  }
0xa1: {  	s23 =	simm.s32 $0x1B8B  }
0xa2: {  	_ =	swait.ge [sflag:s23], $0x1  }
0xa3: {  	[sflag:s23] =	ssyncset.done $0x0  }
0xa4: {  	s25 =	simm.s32 $0x1B8E;
	s24 =	sld [smem:$0x3FFE];
	[sflag:s23] =	ssyncadd.s32 $0xFFFFFFFF  }
0xa5: {  	s26 =	simm.s32 $execute0_lowered;
	[smem:$0x3FD2] =	sst s25  }
0xa6: {  	s4 =	sshll.u32 s26, $0x1;
	_ =	strace $0x8000004C;
	[dreg:$0x1] =	wrdreg $0xFFFFFFFF  }
0xa7: {  	s28 =	simm.s32 $_size_execute0_lowered;
	s2 =	sadd.s32 s2, s4;
	[dreg:$0x0] =	wrdreg $0x0  }
0xa8: {  	s4 =	sshll.u32 s28, $0x1;
	[dreg:$0x2] =	wrdreg s2  }
0xa9: {  	[dreg:$0x3] =	wrdreg s4  }
0xaa: {  	[dreg:$0x4] =	wrdreg $0xC0  }
0xab: {  	_ =	task [dreg:s6], $0x5FFFF  }
0xac: {  	[dreg:$0x1] =	wrdreg $0xFFFFFFFF  }
0xad: {  	[dreg:$0x0] =	wrdreg $0x60  }
0xae: {  	[dreg:$0x2] =	wrdreg s24  }
0xaf: {  	[dreg:$0x3] =	wrdreg $0x0  }
0xb0: {  	[dreg:$0x4] =	wrdreg $0x9  }
0xb1: {  	_ =	task.clear_ibuf [dreg:s6], $0x5FFFF;
	_ =	strace $0x9000004C  }
0xb2: {  	s29 =	simm.s32 $0x9;
	_ =	strace $0x8000004E  }
0xb3: {  	_ =	swait.ge [sflag:s29], $0x1  }
0xb4: {  	[sflag:s29] =	ssyncadd.s32 $0xFFFFFFFF  }
0xb5: {  	_ =	strace $0x9000004E  }
0xb6: {  	_ =	sfence  }
0xb7: {  	s30 =	sld [smem:$0x0];
	_ =	sdelay $0x2  }
0xb8: {  	s31 =	sshll.u32 s1, $0xD;
	s1 =	sshrl.u32 s1, $0x2  }
0xb9: {  	s3 =	sand.u32 $0x4000, s31;
	s1 =	sadd.s32 s1, s30  }
0xba: {  	s0 =	sor.u32 s3, s0;
	s1 =	sshll.u32 s1, $0x11  }
0xbb: {  	s0 =	sor.u32 s1, s0  }
0xbc: {  	s0 =	sadd.s32 $0x8F2B, s0  }
0xbd: {  	[sflag:s0] =	ssyncadd.remote.s32 $0x1  }
0xbe: {  	_ =	sfence.sel $0xFFFF  }
0xbf: {  	[dreg:$0x0] =	wrdreg $0xFFFFFFFF;
	(pc) =	sbr.abs _section_cstart, $3  }
0xc0: {  	[dreg:$0x1] =	wrdreg $0xFFFFFFFF  }
0xc1: {  	_ =	task.clear_ibuf [dreg:s6], $0x2FFFF;
	_ =	strace $0x9FFFFFFF  }
0xc2: {  	(tm) =	ssettm $0x7FFFFFFF  }
0xc3: {  	_ =	shalt  }
tec
execute0_lowered:
.L_overlay_start_1:
0x0: {  	(tag) =	ssettag $0x1  }
0x1: {  	s6 =	rddreg [dreg:$0x0]  }
0x2: {  	s0 =	srdreg.scid;
	s2 =	rddreg [dreg:$0x1]  }
0x3: {  	s3 =	simm.s32 $0x0;
	s17 =	simm.s32 $0x40;
	s18 =	simm.s32 $0x1B400  }
0x4: {  	s19 =	simm.s32 $0x13C40;
	s20 =	simm.s32 $0x1D400;
	s21 =	simm.s32 $0x1  }
0x5: {  	s22 =	simm.s32 $0x2;
	s23 =	simm.s32 $0x1B300;
	s24 =	simm.s32 $0x1B380  }
0x6: {  	s26 =	simm.s32 $0x0;
	s5 =	sand.u32 $0x1, s0;
	s0 =	stileid.u32  }
0x7: {  	[smem:$0x7FF] =	sst s3;
	s14 =	sadd.s32 $0x97000, s6;
	s9 =	smul.u32 $0x13C00, s0  }
0x8: {  	s25 =	sadd.s32 $0x128400, s2;
	s1 =	sshll.u32 s5, $0x4;
	s13 =	smul.u32 $0x4F000, s0  }
0x9: {  	_ =	strace $0x8000004D;
	s11 =	ssub.s32 $0x2, s5;
	s29 =	smul.u32 $0x138800, s5  }
0xa: {  	s15 =	sshll.u32 s0, $0x6;
	p0 =	seq.s32 s0, $0xF;
	s4 =	sor.u32 s0, s1  }
0xb: {  	s12 =	sshrl.u32 s11, $0x1;
	s15 =	sor.u32 $0x1C03, s15;
	s7 =	smul.u32 $0x500, s4  }
0xc: {  	s25 =	sshrl.u32 @p0 s25, $0x3;
	s8 =	smul.u32 $0xA00, s4;
	s4 =	sadd.s32 $0x3EE00, s6  }
0xd: {  	s10 =	sshrl.u32 s9, $0x3;
	s11 =	ssub.s32 s11, s12;
	s30 =	sshrl.u32 s13, $0x2  }
0xe: {  	s9 =	sadd.s32 s9, s29;
	s12 =	sshrl.u32 s29, $0x3;
	s13 =	simm.s32 $0x3  }
0xf: {  	s10 =	sadd.s32 s10, s6;
	s9 =	sshrl.u32 s9, $0x3;
	s31 =	sadd.s32 s14, s12  }
0x10: {  	s11 =	smax.u32 s11, $0x1;
	s12 =	simm.s32 $0x13C00;
	s7 =	sadd.s32 s7, s6  }
0x11: {  	s8 =	sadd.s32 s8, s6;
	s9 =	sadd.s32 s14, s9;
	s14 =	simm.s32 $0x16400  }
0x12: {  	s5 =	sadd.s32 $0x8D000, s7;
	s6 =	sadd.s32 $0x3600, s8;
	s7 =	sadd.s32 s30, s2  }
0x13: {  	s8 =	sadd.s32 $0x17600, s10;
	s10 =	sadd.s32 $0x25080, s31;
	s16 =	sshrl.u32 s7, $0x3  }
.LBB2_1:
0x14: {  	[tilespmem:s12], [sflag:$0x3] =	stream.linear.gather [hbm4b:s5+s3], $0x2800, $0x38;
	[tilespmem:$0x1F400] =	vst v63  }
0x15: {  	_ =	swait.ge [sflag:s13], $0x2800  }
0x16: {  	[sflag:s13] =	ssyncset.done $0x0  }
0x17: {  	[sflag:s13] =	ssyncadd.s32 $0xFFFFD800  }
0x18: {  	[tilespmem:s14], [sflag:$0x3] =	stream.linear.gather [hbm4b:s6+s3], $0x5000, $0x38;
	[tilespmem:$0x1F400] =	vst v63  }
0x19: {  	_ =	swait.ge [sflag:s13], $0x5000  }
0x1a: {  	[sflag:s13] =	ssyncset.done $0x0  }
0x1b: {  	[sflag:s13] =	ssyncadd.s32 $0xFFFFB000  }
0x1c: {  	[spmem:s16], [sflag:s15] =	dma.local [hbm:s8], $0x2780  }
0x1d: {  	_ =	swait.ge [sflag:s13], $0x2780  }
0x1e: {  	[sflag:s13] =	ssyncset.done $0x0  }
0x1f: {  	[sflag:s13] =	ssyncadd.s32 $0xFFFFD880  }
0x20: {  	[bflag:$0x0] =	sbarrier.arrive $0xFFFF  }
0x21: {  	[tilespmem:s18], [sflag:$0x1] =	stream.indirect.gather [hbm4b:s4+s17], $0x80, s12, s17, $0xb8;
	[tilespmem:$0x1F400] =	vst v63  }
0x22: {  	_ = 	snop  }
0x23: {  	[tilespmem:s20], [sflag:$0x2] =	stream.indirect.gather [hbm4b:s4+s17], $0x80, s19, s17, $0xb8;
	[tilespmem:$0x1F400] =	vst v63  }
0x24: {  	_ =	swait.ge [sflag:s21], $0x2000  }
0x25: {  	[sflag:s21] =	ssyncset.done $0x0  }
0x26: {  	s28 =	simm.s32 $0x16400;
	[sflag:s21] =	ssyncadd.s32 $0xFFFFE000  }
0x27: {  	[spmem:s2] =	stream.indirect.scatter.add.f32 [tilespmem:s18], [sflag:$0x3], $0x80, s28, s17, $0xb8;
	[tilespmem:$0x1F400] =	vst v63  }
0x28: {  	_ =	swait.ge [sflag:s13], $0x2000  }
0x29: {  	[sflag:s13] =	ssyncset.done $0x0  }
0x2a: {  	s28 =	simm.s32 $0x13C80;
	[sflag:s13] =	ssyncadd.s32 $0xFFFFE000  }
0x2b: {  	[tilespmem:s18], [sflag:$0x1] =	stream.indirect.gather [hbm4b:s4+s17], $0x80, s28, s17, $0xb8;
	[tilespmem:$0x1F400] =	vst v63  }
0x2c: {  	_ =	swait.ge [sflag:s22], $0x2000  }
0x2d: {  	[sflag:s22] =	ssyncset.done $0x0  }
0x2e: {  	s28 =	simm.s32 $0x16480;
	[sflag:s22] =	ssyncadd.s32 $0xFFFFE000  }
0x2f: {  	[spmem:s2] =	stream.indirect.scatter.add.f32 [tilespmem:s20], [sflag:$0x3], $0x80, s28, s17, $0xb8;
	[tilespmem:$0x1F400] =	vst v63  }
0x30: {  	_ =	swait.ge [sflag:s13], $0x2000  }
0x31: {  	s29 =	simm.s32 $0x400;
	[sflag:s13] =	ssyncset.done $0x0  }
0x32: {  	s30 =	simm.s32 $0x13D40;
	s28 =	simm.s32 $0x13CC0;
	[sflag:s13] =	ssyncadd.s32 $0xFFFFE000  }
.LBB2_2:
0x33: {  	[tilespmem:s20], [sflag:$0x2] =	stream.indirect.gather [hbm4b:s4+s17], $0x80, s28, s17, $0xb8;
	[tilespmem:$0x1F400] =	vst v63  }
0x34: {  	s31 =	smov.u32 s29;
	s28 =	smov.u32 s30  }
0x35: {  	p1 =	sne.s32 s29, $0x13800;
	s29 =	sadd.s32 $0x400, s29;
	_ =	swait.ge [sflag:s21], $0x2000  }
0x36: {  	s31 =	sshra.s32 s31, $0x2;
	[sflag:s21] =	ssyncset.done $0x0  }
0x37: {  	s1 =	sadd.s32 $0x16400, s31;
	[sflag:s21] =	ssyncadd.s32 $0xFFFFE000  }
0x38: {  	[spmem:s2] =	stream.indirect.scatter.add.f32 [tilespmem:s18], [sflag:$0x3], $0x80, s1, s17, $0xb8;
	[tilespmem:$0x1F400] =	vst v63  }
0x39: {  	_ =	swait.ge [sflag:s13], $0x2000  }
0x3a: {  	[sflag:s13] =	ssyncset.done $0x0  }
0x3b: {  	s1 =	sadd.s32 $0xFFFFFFC0, s30;
	[sflag:s13] =	ssyncadd.s32 $0xFFFFE000  }
0x3c: {  	[tilespmem:s18], [sflag:$0x1] =	stream.indirect.gather [hbm4b:s4+s17], $0x80, s1, s17, $0xb8;
	[tilespmem:$0x1F400] =	vst v63  }
0x3d: {  	_ =	swait.ge [sflag:s22], $0x2000  }
0x3e: {  	[sflag:s22] =	ssyncset.done $0x0  }
.Ltmp0:
0x3f: {  	s1 =	sadd.s32 $0x16480, s31;
	[sflag:s22] =	ssyncadd.s32 $0xFFFFE000;
	(pc) =	sbr.rel @p1 .LBB2_2-.Ltmp0, $4  }
0x40: {  	[spmem:s2] =	stream.indirect.scatter.add.f32 [tilespmem:s20], [sflag:$0x3], $0x80, s1, s17, $0xb8;
	[tilespmem:$0x1F400] =	vst v63  }
0x41: {  	_ =	swait.ge [sflag:s13], $0x2000  }
0x42: {  	[sflag:s13] =	ssyncset.done $0x0  }
0x43: {  	s30 =	sadd.s32 $0x80, s30;
	[sflag:s13] =	ssyncadd.s32 $0xFFFFE000  }
0x44: {  	[tilespmem:s20], [sflag:$0x2] =	stream.indirect.gather [hbm4b:s4+s17], $0x80, s28, s17, $0xb8;
	[tilespmem:$0x1F400] =	vst v63  }
0x45: {  	_ =	swait.ge [sflag:s21], $0x2000  }
0x46: {  	[sflag:s21] =	ssyncset.done $0x0  }
0x47: {  	[sflag:s21] =	ssyncadd.s32 $0xFFFFE000  }
0x48: {  	[spmem:s2] =	stream.indirect.scatter.add.f32 [tilespmem:s18], [sflag:$0x3], $0x80, s23, s17, $0xb8;
	[tilespmem:$0x1F400] =	vst v63  }
0x49: {  	_ =	swait.ge [sflag:s13], $0x2000  }
0x4a: {  	[sflag:s13] =	ssyncset.done $0x0  }
0x4b: {  	[sflag:s13] =	ssyncadd.s32 $0xFFFFE000  }
0x4c: {  	_ =	swait.ge [sflag:s22], $0x2000  }
0x4d: {  	[sflag:s22] =	ssyncset.done $0x0  }
0x4e: {  	[sflag:s22] =	ssyncadd.s32 $0xFFFFE000  }
0x4f: {  	[spmem:s2] =	stream.indirect.scatter.add.f32 [tilespmem:s20], [sflag:$0x3], $0x80, s24, s17, $0xb8;
	[tilespmem:$0x1F400] =	vst v63  }
0x50: {  	_ =	swait.ge [sflag:s13], $0x2000  }
0x51: {  	[sflag:s13] =	ssyncset.done $0x0  }
0x52: {  	[sflag:s13] =	ssyncadd.s32 $0xFFFFE000  }
0x53: {  	s1 =	simm.s32 @p0 $0x3;
	[bflag:$0x0] =	sbarrier.arrive $0xFFFF  }
0x54: {  	[hbm:s10], [sflag:s15] =	dma.local @p0 [spmem:s25], $0x2080  }
0x55: {  	_ =	swait.ge @p0 [sflag:s1], $0x2080  }
0x56: {  	s26 =	sadd.s32 $0x1, s26;
	[sflag:s1] =	ssyncset.done @p0 $0x0  }
0x57: {  	p1 =	sne.s32 s26, s11;
	[sflag:s1] =	ssyncadd.s32 @p0 $0xFFFFDF80;
	s1 =	sshrl.u32 @!p0 s7, $0x3  }
0x58: {  	[hbm:s9], [sflag:s15] =	dma.local @!p0 [spmem:s1], $0x2780  }
.Ltmp1:
0x59: {  	_ = 	snop;
	(pc) =	sbr.rel @p1 .LBB2_1-.Ltmp1, $4  }
0x5a: {  	s1 =	simm.s32 @!p0 $0x3  }
0x5b: {  	_ =	swait.ge @!p0 [sflag:s1], $0x2780  }
0x5c: {  	[sflag:s1] =	ssyncset.done @!p0 $0x0  }
0x5d: {  	[sflag:s1] =	ssyncadd.s32 @!p0 $0xFFFFD880  }
0x5e: {  	_ =	sfence.sel $0x180000  }
0x5f: {  	[bflag:$0x0] =	sbarrier.arrive $0xFFFF  }
0x60: {  	_ =	strace $0x9000004D  }
0x61: {  	[bflag:$0x2] =	sbarrier.arrive $0xFFFF  }
0x62: {  	p0 =	sne.s32 s0, $0x0;
	s0 =	rddreg [dreg:$0x2]  }
0x63: {  	s0 =	sadd.s32 @!p0 $0x100000, s0  }
0x64: {  	[sflag:s0] =	ssyncadd.tile.s32 @!p0 $0x1;
	_ =	shalt  }
.Lfunc_end2:
_tile_overlayer_lowered:
.L_overlay_start_2:
0x65: {  	(tag) =	ssettag $0x2  }
0x66: {  	s0 =	rddreg [dreg:$0x0];
	s2 =	stileid.u32  }
0x67: {  	s1 =	rddreg [dreg:$0x1];
	p0 =	sne.s32 s2, $0x0  }
0x68: {  	s3 =	rddreg [dreg:$0x2];
	[bflag:$0x3] =	sbarrier.arrive $0xFFFF;
	s2 =	simm.s32 @!p0 $0x1C03  }
0x69: {  	[timem:s3], [sflag:s2] =	dma.local @!p0 [hbm:s0], s1  }
0x6a: {  	s0 =	simm.s32 @!p0 $0x3  }
0x6b: {  	_ =	swait.ge @!p0 [sflag:s0], s1  }
0x6c: {  	s1 =	ssub.s32 @!p0 $0x0, s1;
	[sflag:s0] =	ssyncset.done @!p0 $0x0  }
0x6d: {  	[sflag:s0] =	ssyncadd.s32 @!p0 s1  }
0x6e: {  	[bflag:$0x3] =	sbarrier.arrive $0xFFFF  }
0x6f: {  	_ =	shalt  }

// kernel: kernel.19.cloned.1.call-start
scs
__scs_entry_jumppad:
0x0: {  	(pc) =	sbr.rel $0x88, $3  }
0x1: {  	(tag) =	ssettag $0x0;
	lr =	simm.s32 $0x1  }
0x2: {  	[smem:$0x3F97] =	sst lr;
	_ =	strace $0xD0000000  }
0x3: {  	_ = 	snop  }
0x4: {  	_ = 	snop  }
0x5: {  	_ = 	snop  }
0x6: {  	_ = 	snop  }
0x7: {  	_ = 	snop  }
__scs_overlays_trampoline_lowered:
0x8: {  	[smem:$0x3FA6] =	sst s0  }
0x9: {  	[smem:$0x3FA7] =	sst s1  }
0xa: {  	[smem:$0x3FA8] =	sst s2  }
0xb: {  	[smem:$0x3FA9] =	sst s3  }
0xc: {  	[smem:$0x3FAA] =	sst s4  }
0xd: {  	[smem:$0x3FAB] =	sst s5  }
0xe: {  	[smem:$0x3FAC] =	sst s6  }
0xf: {  	[smem:$0x3FAD] =	sst s7  }
0x10: {  	[smem:$0x3FAE] =	sst s8  }
0x11: {  	[smem:$0x3FAF] =	sst s9;
	s0 =	simm.s32 @!p0 $0x0  }
0x12: {  	s1 =	sld [smem:$0x3F95];
	s0 =	simm.s32 @p0 $0x1  }
0x13: {  	[smem:$0x3FB0] =	sst s0;
	s0 =	simm.s32 @!p1 $0x0  }
0x14: {  	s2 =	sld [smem:$0x3F94];
	s0 =	simm.s32 @p1 $0x1  }
0x15: {  	[smem:$0x3FB1] =	sst s0;
	s0 =	simm.s32 @!p2 $0x0  }
0x16: {  	s3 =	sld [smem:$0x3FDB];
	s0 =	simm.s32 @p2 $0x1  }
0x17: {  	s4 =	simm.s32 $0x1BF5;
	[smem:$0x3FB3] =	sst s0  }
0x18: {  	s0 =	sld [smem:$0x3F96];
	_ =	swait.ge [sflag:s4], $0x0  }
0x19: {  	s7 =	sld [smem:$0x3F97]  }
0x1a: {  	s8 =	sadd.s32 $0xFFFFE003, lr  }
0x1b: {  	s9 =	sadd.s32 $0xFFFFFEF7, lr;
	s5 =	simm.s32 $0xFFFFFFFF;
	p2 =	slt.u32 s8, $0xFFFFF086  }
0x1c: {  	p1 =	slt.u32 s9, $0xF7A;
	s5 =	simm.s32 @!p2 $0x0  }
0x1d: {  	s5 =	simm.s32 @p1 $0x1;
	p0 =	seq.s32 s7, s2  }
0x1e: {  	s7 =	smul.u32 @!p0 $0xF7A, s2;
	p2 =	seq.s32 @!p0 s5, $0x0  }
0x1f: {  	s9 =	smul.u32 $0xF7A, s1;
	s8 =	simm.s32 @!p0 $0x1BF5;
	p2 =	por !p2, p0  }
0x20: {  	[sflag:s8] =	ssyncset.s32 @!p0 $0xFFFFF086;
	s6 =	sadd.s32 @!p0 s3, s7;
	s7 =	simm.s32 @!p0 $0x108  }
0x21: {  	s3 =	sadd.s32 s3, s9;
	s6 =	sadd.s32 @!p0 $0x88, s6;
	s7 =	simm.s32 @p2 $0x1082  }
0x22: {  	[simem:s7], [sflag:s8] =	dma.local @!p0 [hbm:s6], $0xF7A  }
0x23: {  	s9 =	sor.u32 $0xD0000000, s2;
	s6 =	simm.s32 $0x108;
	_ =	swait.ge @!p0 [sflag:s8], $0x0  }
0x24: {  	s3 =	sadd.s32 $0x88, s3;
	s6 =	simm.s32 @!p1 $0x1082;
	[sflag:s4] =	ssyncset.s32 $0xFFFFF086  }
0x25: {  	[simem:s6], [sflag:s4] =	dma.local [hbm:s3], $0xF7A  }
0x26: {  	[smem:$0x3F97] =	sst s1;
	(tag) =	ssettag s2;
	_ =	strace s9  }
0x27: {  	s1 =	sld [smem:$0x3FA7]  }
0x28: {  	s2 =	sld [smem:$0x3FA8]  }
0x29: {  	s4 =	sld [smem:$0x3FAA]  }
0x2a: {  	p0 =	seq.s32 s5, $0x0;
	s5 =	sld [smem:$0x3FAB]  }
0x2b: {  	s6 =	sld [smem:$0x3FAC]  }
0x2c: {  	s7 =	sld [smem:$0x3FAD]  }
0x2d: {  	s3 =	simm.s32 $0x108;
	s8 =	sld [smem:$0x3FAE]  }
0x2e: {  	s3 =	simm.s32 @!p0 $0x1082;
	s9 =	sld [smem:$0x3FAF]  }
0x2f: {  	lr =	sadd.s32 s0, s3;
	s0 =	sld [smem:$0x3FA6]  }
0x30: {  	s3 =	sld [smem:$0x3FA9]  }
0x31: {  	[smem:$0x3FB2] =	sst s10  }
0x32: {  	s10 =	sld [smem:$0x3FB0];
	_ =	sdelay $0x3  }
0x33: {  	p0 =	seq.s32 s10, $0x1;
	s10 =	sld [smem:$0x3FB2];
	_ =	sdelay $0x3  }
0x34: {  	[smem:$0x3FB2] =	sst s10  }
0x35: {  	s10 =	sld [smem:$0x3FB1];
	_ =	sdelay $0x3  }
0x36: {  	p1 =	seq.s32 s10, $0x1;
	s10 =	sld [smem:$0x3FB2];
	_ =	sdelay $0x3  }
0x37: {  	[smem:$0x3FB2] =	sst s10  }
0x38: {  	s10 =	sld [smem:$0x3FB3]  }
0x39: {  	_ = 	snop;
	(pc) =	sbr.ind lr, $3  }
0x3a: {  	_ = 	snop  }
0x3b: {  	_ = 	snop  }
0x3c: {  	p2 =	seq.s32 s10, $0x1;
	s10 =	sld [smem:$0x3FB2]  }
0x3d: {  	_ =	shalt  }
0x3e: {  	_ =	shalt  }
0x3f: {  	_ =	shalt  }
0x40: {  	_ =	shalt  }
0x41: {  	_ =	shalt  }
0x42: {  	_ =	shalt  }
0x43: {  	_ =	shalt  }
0x44: {  	_ =	shalt  }
0x45: {  	_ =	shalt  }
0x46: {  	_ =	shalt  }
0x47: {  	_ =	shalt  }
0x48: {  	_ =	shalt  }
0x49: {  	_ =	shalt  }
0x4a: {  	_ =	shalt  }
0x4b: {  	_ =	shalt  }
0x4c: {  	_ =	shalt  }
0x4d: {  	_ =	shalt  }
0x4e: {  	_ =	shalt  }
0x4f: {  	_ =	shalt  }
0x50: {  	_ =	shalt  }
0x51: {  	_ =	shalt  }
0x52: {  	_ =	shalt  }
0x53: {  	_ =	shalt  }
0x54: {  	_ =	shalt  }
0x55: {  	_ =	shalt  }
0x56: {  	_ =	shalt  }
0x57: {  	_ =	shalt  }
0x58: {  	_ =	shalt  }
0x59: {  	_ =	shalt  }
0x5a: {  	_ =	shalt  }
0x5b: {  	_ =	shalt  }
0x5c: {  	_ =	shalt  }
0x5d: {  	_ =	shalt  }
0x5e: {  	_ =	shalt  }
0x5f: {  	_ =	shalt  }
0x60: {  	_ =	shalt  }
0x61: {  	_ =	shalt  }
0x62: {  	_ =	shalt  }
0x63: {  	_ =	shalt  }
0x64: {  	_ =	shalt  }
0x65: {  	_ =	shalt  }
0x66: {  	_ =	shalt  }
0x67: {  	_ =	shalt  }
0x68: {  	_ =	shalt  }
0x69: {  	_ =	shalt  }
0x6a: {  	_ =	shalt  }
0x6b: {  	_ =	shalt  }
0x6c: {  	_ =	shalt  }
0x6d: {  	_ =	shalt  }
0x6e: {  	_ =	shalt  }
0x6f: {  	_ =	shalt  }
0x70: {  	_ =	shalt  }
0x71: {  	_ =	shalt  }
0x72: {  	_ =	shalt  }
0x73: {  	_ =	shalt  }
0x74: {  	_ =	shalt  }
0x75: {  	_ =	shalt  }
0x76: {  	_ =	shalt  }
0x77: {  	_ =	shalt  }
0x78: {  	_ =	shalt  }
0x79: {  	_ =	shalt  }
0x7a: {  	_ =	shalt  }
0x7b: {  	_ =	shalt  }
0x7c: {  	_ =	shalt  }
0x7d: {  	_ =	shalt  }
0x7e: {  	_ =	shalt  }
0x7f: {  	_ =	shalt  }
0x80: {  	_ =	shalt  }
0x81: {  	_ =	shalt  }
0x82: {  	_ =	shalt  }
0x83: {  	_ =	shalt  }
0x84: {  	_ =	shalt  }
0x85: {  	_ =	shalt  }
0x86: {  	_ =	shalt  }
0x87: {  	_ =	shalt  }
.Lfunc_end0:
.L_simem_size_0:
called_computation.3_lowered:
.L_overlay_start_0:
0x88: {  	s2 =	sld [smem:$0x3FD9]  }
0x89: {  	s3 =	sld [smem:$0x3FFE];
	_ =	sdelay $0x1  }
0x8a: {  	s1 =	srdreg.scid  }
0x8b: {  	s0 =	sand.u32 $0x1, s1  }
0x8c: {  	s16 =	sshll.u32 s0, $0xA;
	s2 =	sadd.s32 s3, s2  }
0x8d: {  	s2 =	sadd.s32 s2, s16  }
0x8e: {  	[smem:$0x3FBE] =	sst s2  }
0x8f: {  	_ = 	snop  }
0x90: {  	(tm) =	ssettm $0x1  }
0x91: {  	s17 =	sld [smem:$0x3FFB];
	_ =	sdelay $0x3  }
0x92: {  	_ =	strace s17  }
0x93: {  	s2 =	sld [smem:$0x3FFC];
	_ =	sdelay $0x3  }
0x94: {  	_ =	strace s2  }
0x95: {  	s2 =	sld [smem:$0x3FFD];
	_ =	sdelay $0x3  }
0x96: {  	_ =	strace s2  }
0x97: {  	_ =	strace $0x8FFFFFFF  }
0x98: {  	s18 =	sld [smem:$0x3FDB];
	_ =	sdelay $0x1  }
0x99: {  	s19 =	simm.s32 $_scs_section_size  }
0x9a: {  	s4 =	simm.s32 $_size__tile_overlayer_lowered;
	s5 =	simm.s32 $_tile_overlayer_lowered  }
0x9b: {  	s22 =	simm.s32 $0x1BFF;
	s21 =	sshll.u32 s5, $0x1;
	s2 =	sadd.s32 s19, s18  }
0x9c: {  	s6 =	simm.s32 $0x0;
	s20 =	sshll.u32 s4, $0x1;
	s4 =	sadd.s32 s21, s2  }
0x9d: {  	[timem:s6], [sflag:s22] =	dma.local [hbm:s4], s20  }
0x9e: {  	_ =	swait.ge [sflag:s22], s20  }
0x9f: {  	s3 =	ssub.s32 $0x0, s20;
	[sflag:s22] =	ssyncset.done $0x0  }
0xa0: {  	[sflag:s22] =	ssyncadd.s32 s3;
	_ =	sdelay $0x1  }
0xa1: {  	s23 =	simm.s32 $0x1B8B  }
0xa2: {  	_ =	swait.ge [sflag:s23], $0x1  }
0xa3: {  	[sflag:s23] =	ssyncset.done $0x0  }
0xa4: {  	s25 =	simm.s32 $0x1B8E;
	s24 =	sld [smem:$0x3FFE];
	[sflag:s23] =	ssyncadd.s32 $0xFFFFFFFF  }
0xa5: {  	s26 =	simm.s32 $execute0_lowered;
	[smem:$0x3FD2] =	sst s25  }
0xa6: {  	s4 =	sshll.u32 s26, $0x1;
	_ =	strace $0x8000004F;
	[dreg:$0x1] =	wrdreg $0xFFFFFFFF  }
0xa7: {  	s28 =	simm.s32 $_size_execute0_lowered;
	s2 =	sadd.s32 s2, s4;
	[dreg:$0x0] =	wrdreg $0x0  }
0xa8: {  	s4 =	sshll.u32 s28, $0x1;
	[dreg:$0x2] =	wrdreg s2  }
0xa9: {  	[dreg:$0x3] =	wrdreg s4  }
0xaa: {  	[dreg:$0x4] =	wrdreg $0xC0  }
0xab: {  	_ =	task [dreg:s6], $0x5FFFF  }
0xac: {  	[dreg:$0x1] =	wrdreg $0xFFFFFFFF  }
0xad: {  	[dreg:$0x0] =	wrdreg $0x60  }
0xae: {  	[dreg:$0x2] =	wrdreg s24  }
0xaf: {  	[dreg:$0x3] =	wrdreg $0x0  }
0xb0: {  	[dreg:$0x4] =	wrdreg $0x9  }
0xb1: {  	_ =	task.clear_ibuf [dreg:s6], $0x5FFFF;
	_ =	strace $0x9000004F  }
0xb2: {  	s29 =	simm.s32 $0x9;
	_ =	strace $0x80000051  }
0xb3: {  	_ =	swait.ge [sflag:s29], $0x1  }
0xb4: {  	[sflag:s29] =	ssyncadd.s32 $0xFFFFFFFF  }
0xb5: {  	_ =	strace $0x90000051  }
0xb6: {  	_ =	sfence  }
0xb7: {  	s30 =	sld [smem:$0x0];
	_ =	sdelay $0x2  }
0xb8: {  	s31 =	sshll.u32 s1, $0xD;
	s1 =	sshrl.u32 s1, $0x2  }
0xb9: {  	s3 =	sand.u32 $0x4000, s31;
	s1 =	sadd.s32 s1, s30  }
0xba: {  	s0 =	sor.u32 s3, s0;
	s1 =	sshll.u32 s1, $0x11  }
0xbb: {  	s0 =	sor.u32 s1, s0  }
0xbc: {  	s0 =	sadd.s32 $0x8F2B, s0  }
0xbd: {  	[sflag:s0] =	ssyncadd.remote.s32 $0x1  }
0xbe: {  	_ =	sfence.sel $0xFFFF  }
0xbf: {  	[dreg:$0x0] =	wrdreg $0xFFFFFFFF;
	(pc) =	sbr.abs _section_cstart, $3  }
0xc0: {  	[dreg:$0x1] =	wrdreg $0xFFFFFFFF  }
0xc1: {  	_ =	task.clear_ibuf [dreg:s6], $0x2FFFF;
	_ =	strace $0x9FFFFFFF  }
0xc2: {  	(tm) =	ssettm $0x7FFFFFFF  }
0xc3: {  	_ =	shalt  }
tec
execute0_lowered:
.L_overlay_start_1:
0x0: {  	(tag) =	ssettag $0x1  }
0x1: {  	s6 =	rddreg [dreg:$0x0]  }
0x2: {  	s0 =	srdreg.scid;
	s2 =	rddreg [dreg:$0x1]  }
0x3: {  	s3 =	simm.s32 $0x0;
	s17 =	simm.s32 $0x40;
	s18 =	simm.s32 $0x1B400  }
0x4: {  	s19 =	simm.s32 $0x13C40;
	s20 =	simm.s32 $0x1D400;
	s21 =	simm.s32 $0x1  }
0x5: {  	s22 =	simm.s32 $0x2;
	s23 =	simm.s32 $0x1B300;
	s24 =	simm.s32 $0x1B380  }
0x6: {  	s26 =	simm.s32 $0x0;
	s5 =	sand.u32 $0x1, s0;
	s0 =	stileid.u32  }
0x7: {  	[smem:$0x7FF] =	sst s3;
	s14 =	sadd.s32 $0x97000, s6;
	s9 =	smul.u32 $0x13C00, s0  }
0x8: {  	s25 =	sadd.s32 $0x128400, s2;
	s1 =	sshll.u32 s5, $0x4;
	s13 =	smul.u32 $0x4F000, s0  }
0x9: {  	_ =	strace $0x80000050;
	s11 =	ssub.s32 $0x2, s5;
	s29 =	smul.u32 $0x138800, s5  }
0xa: {  	s15 =	sshll.u32 s0, $0x6;
	p0 =	seq.s32 s0, $0xF;
	s4 =	sor.u32 s0, s1  }
0xb: {  	s12 =	sshrl.u32 s11, $0x1;
	s15 =	sor.u32 $0x1C03, s15;
	s7 =	smul.u32 $0x500, s4  }
0xc: {  	s25 =	sshrl.u32 @p0 s25, $0x3;
	s8 =	smul.u32 $0xA00, s4;
	s4 =	sadd.s32 $0x3EE00, s6  }
0xd: {  	s10 =	sshrl.u32 s9, $0x3;
	s11 =	ssub.s32 s11, s12;
	s30 =	sshrl.u32 s13, $0x2  }
0xe: {  	s9 =	sadd.s32 s9, s29;
	s12 =	sshrl.u32 s29, $0x3;
	s13 =	simm.s32 $0x3  }
0xf: {  	s10 =	sadd.s32 s10, s6;
	s9 =	sshrl.u32 s9, $0x3;
	s31 =	sadd.s32 s14, s12  }
0x10: {  	s11 =	smax.u32 s11, $0x1;
	s12 =	simm.s32 $0x13C00;
	s7 =	sadd.s32 s7, s6  }
0x11: {  	s8 =	sadd.s32 s8, s6;
	s9 =	sadd.s32 s14, s9;
	s14 =	simm.s32 $0x16400  }
0x12: {  	s5 =	sadd.s32 $0x8D000, s7;
	s6 =	sadd.s32 $0x3600, s8;
	s7 =	sadd.s32 s30, s2  }
0x13: {  	s8 =	sadd.s32 $0x17600, s10;
	s10 =	sadd.s32 $0x25080, s31;
	s16 =	sshrl.u32 s7, $0x3  }
.LBB2_1:
0x14: {  	[tilespmem:s12], [sflag:$0x3] =	stream.linear.gather [hbm4b:s5+s3], $0x2800, $0x38;
	[tilespmem:$0x1F400] =	vst v63  }
0x15: {  	_ =	swait.ge [sflag:s13], $0x2800  }
0x16: {  	[sflag:s13] =	ssyncset.done $0x0  }
0x17: {  	[sflag:s13] =	ssyncadd.s32 $0xFFFFD800  }
0x18: {  	[tilespmem:s14], [sflag:$0x3] =	stream.linear.gather [hbm4b:s6+s3], $0x5000, $0x38;
	[tilespmem:$0x1F400] =	vst v63  }
0x19: {  	_ =	swait.ge [sflag:s13], $0x5000  }
0x1a: {  	[sflag:s13] =	ssyncset.done $0x0  }
0x1b: {  	[sflag:s13] =	ssyncadd.s32 $0xFFFFB000  }
0x1c: {  	[spmem:s16], [sflag:s15] =	dma.local [hbm:s8], $0x2780  }
0x1d: {  	_ =	swait.ge [sflag:s13], $0x2780  }
0x1e: {  	[sflag:s13] =	ssyncset.done $0x0  }
0x1f: {  	[sflag:s13] =	ssyncadd.s32 $0xFFFFD880  }
0x20: {  	[bflag:$0x0] =	sbarrier.arrive $0xFFFF  }
0x21: {  	[tilespmem:s18], [sflag:$0x1] =	stream.indirect.gather [hbm4b:s4+s17], $0x80, s12, s17, $0xb8;
	[tilespmem:$0x1F400] =	vst v63  }
0x22: {  	_ = 	snop  }
0x23: {  	[tilespmem:s20], [sflag:$0x2] =	stream.indirect.gather [hbm4b:s4+s17], $0x80, s19, s17, $0xb8;
	[tilespmem:$0x1F400] =	vst v63  }
0x24: {  	_ =	swait.ge [sflag:s21], $0x2000  }
0x25: {  	[sflag:s21] =	ssyncset.done $0x0  }
0x26: {  	s28 =	simm.s32 $0x16400;
	[sflag:s21] =	ssyncadd.s32 $0xFFFFE000  }
0x27: {  	[spmem:s2] =	stream.indirect.scatter.add.f32 [tilespmem:s18], [sflag:$0x3], $0x80, s28, s17, $0xb8;
	[tilespmem:$0x1F400] =	vst v63  }
0x28: {  	_ =	swait.ge [sflag:s13], $0x2000  }
0x29: {  	[sflag:s13] =	ssyncset.done $0x0  }
0x2a: {  	s28 =	simm.s32 $0x13C80;
	[sflag:s13] =	ssyncadd.s32 $0xFFFFE000  }
0x2b: {  	[tilespmem:s18], [sflag:$0x1] =	stream.indirect.gather [hbm4b:s4+s17], $0x80, s28, s17, $0xb8;
	[tilespmem:$0x1F400] =	vst v63  }
0x2c: {  	_ =	swait.ge [sflag:s22], $0x2000  }
0x2d: {  	[sflag:s22] =	ssyncset.done $0x0  }
0x2e: {  	s28 =	simm.s32 $0x16480;
	[sflag:s22] =	ssyncadd.s32 $0xFFFFE000  }
0x2f: {  	[spmem:s2] =	stream.indirect.scatter.add.f32 [tilespmem:s20], [sflag:$0x3], $0x80, s28, s17, $0xb8;
	[tilespmem:$0x1F400] =	vst v63  }
0x30: {  	_ =	swait.ge [sflag:s13], $0x2000  }
0x31: {  	s29 =	simm.s32 $0x400;
	[sflag:s13] =	ssyncset.done $0x0  }
0x32: {  	s30 =	simm.s32 $0x13D40;
	s28 =	simm.s32 $0x13CC0;
	[sflag:s13] =	ssyncadd.s32 $0xFFFFE000  }
.LBB2_2:
0x33: {  	[tilespmem:s20], [sflag:$0x2] =	stream.indirect.gather [hbm4b:s4+s17], $0x80, s28, s17, $0xb8;
	[tilespmem:$0x1F400] =	vst v63  }
0x34: {  	s31 =	smov.u32 s29;
	s28 =	smov.u32 s30  }
0x35: {  	p1 =	sne.s32 s29, $0x13800;
	s29 =	sadd.s32 $0x400, s29;
	_ =	swait.ge [sflag:s21], $0x2000  }
0x36: {  	s31 =	sshra.s32 s31, $0x2;
	[sflag:s21] =	ssyncset.done $0x0  }
0x37: {  	s1 =	sadd.s32 $0x16400, s31;
	[sflag:s21] =	ssyncadd.s32 $0xFFFFE000  }
0x38: {  	[spmem:s2] =	stream.indirect.scatter.add.f32 [tilespmem:s18], [sflag:$0x3], $0x80, s1, s17, $0xb8;
	[tilespmem:$0x1F400] =	vst v63  }
0x39: {  	_ =	swait.ge [sflag:s13], $0x2000  }
0x3a: {  	[sflag:s13] =	ssyncset.done $0x0  }
0x3b: {  	s1 =	sadd.s32 $0xFFFFFFC0, s30;
	[sflag:s13] =	ssyncadd.s32 $0xFFFFE000  }
0x3c: {  	[tilespmem:s18], [sflag:$0x1] =	stream.indirect.gather [hbm4b:s4+s17], $0x80, s1, s17, $0xb8;
	[tilespmem:$0x1F400] =	vst v63  }
0x3d: {  	_ =	swait.ge [sflag:s22], $0x2000  }
0x3e: {  	[sflag:s22] =	ssyncset.done $0x0  }
.Ltmp0:
0x3f: {  	s1 =	sadd.s32 $0x16480, s31;
	[sflag:s22] =	ssyncadd.s32 $0xFFFFE000;
	(pc) =	sbr.rel @p1 .LBB2_2-.Ltmp0, $4  }
0x40: {  	[spmem:s2] =	stream.indirect.scatter.add.f32 [tilespmem:s20], [sflag:$0x3], $0x80, s1, s17, $0xb8;
	[tilespmem:$0x1F400] =	vst v63  }
0x41: {  	_ =	swait.ge [sflag:s13], $0x2000  }
0x42: {  	[sflag:s13] =	ssyncset.done $0x0  }
0x43: {  	s30 =	sadd.s32 $0x80, s30;
	[sflag:s13] =	ssyncadd.s32 $0xFFFFE000  }
0x44: {  	[tilespmem:s20], [sflag:$0x2] =	stream.indirect.gather [hbm4b:s4+s17], $0x80, s28, s17, $0xb8;
	[tilespmem:$0x1F400] =	vst v63  }
0x45: {  	_ =	swait.ge [sflag:s21], $0x2000  }
0x46: {  	[sflag:s21] =	ssyncset.done $0x0  }
0x47: {  	[sflag:s21] =	ssyncadd.s32 $0xFFFFE000  }
0x48: {  	[spmem:s2] =	stream.indirect.scatter.add.f32 [tilespmem:s18], [sflag:$0x3], $0x80, s23, s17, $0xb8;
	[tilespmem:$0x1F400] =	vst v63  }
0x49: {  	_ =	swait.ge [sflag:s13], $0x2000  }
0x4a: {  	[sflag:s13] =	ssyncset.done $0x0  }
0x4b: {  	[sflag:s13] =	ssyncadd.s32 $0xFFFFE000  }
0x4c: {  	_ =	swait.ge [sflag:s22], $0x2000  }
0x4d: {  	[sflag:s22] =	ssyncset.done $0x0  }
0x4e: {  	[sflag:s22] =	ssyncadd.s32 $0xFFFFE000  }
0x4f: {  	[spmem:s2] =	stream.indirect.scatter.add.f32 [tilespmem:s20], [sflag:$0x3], $0x80, s24, s17, $0xb8;
	[tilespmem:$0x1F400] =	vst v63  }
0x50: {  	_ =	swait.ge [sflag:s13], $0x2000  }
0x51: {  	[sflag:s13] =	ssyncset.done $0x0  }
0x52: {  	[sflag:s13] =	ssyncadd.s32 $0xFFFFE000  }
0x53: {  	s1 =	simm.s32 @p0 $0x3;
	[bflag:$0x0] =	sbarrier.arrive $0xFFFF  }
0x54: {  	[hbm:s10], [sflag:s15] =	dma.local @p0 [spmem:s25], $0x2080  }
0x55: {  	_ =	swait.ge @p0 [sflag:s1], $0x2080  }
0x56: {  	s26 =	sadd.s32 $0x1, s26;
	[sflag:s1] =	ssyncset.done @p0 $0x0  }
0x57: {  	p1 =	sne.s32 s26, s11;
	[sflag:s1] =	ssyncadd.s32 @p0 $0xFFFFDF80;
	s1 =	sshrl.u32 @!p0 s7, $0x3  }
0x58: {  	[hbm:s9], [sflag:s15] =	dma.local @!p0 [spmem:s1], $0x2780  }
.Ltmp1:
0x59: {  	_ = 	snop;
	(pc) =	sbr.rel @p1 .LBB2_1-.Ltmp1, $4  }
0x5a: {  	s1 =	simm.s32 @!p0 $0x3  }
0x5b: {  	_ =	swait.ge @!p0 [sflag:s1], $0x2780  }
0x5c: {  	[sflag:s1] =	ssyncset.done @!p0 $0x0  }
0x5d: {  	[sflag:s1] =	ssyncadd.s32 @!p0 $0xFFFFD880  }
0x5e: {  	_ =	sfence.sel $0x180000  }
0x5f: {  	[bflag:$0x0] =	sbarrier.arrive $0xFFFF  }
0x60: {  	_ =	strace $0x90000050  }
0x61: {  	[bflag:$0x2] =	sbarrier.arrive $0xFFFF  }
0x62: {  	p0 =	sne.s32 s0, $0x0;
	s0 =	rddreg [dreg:$0x2]  }
0x63: {  	s0 =	sadd.s32 @!p0 $0x100000, s0  }
0x64: {  	[sflag:s0] =	ssyncadd.tile.s32 @!p0 $0x1;
	_ =	shalt  }
.Lfunc_end2:
_tile_overlayer_lowered:
.L_overlay_start_2:
0x65: {  	(tag) =	ssettag $0x2  }
0x66: {  	s0 =	rddreg [dreg:$0x0];
	s2 =	stileid.u32  }
0x67: {  	s1 =	rddreg [dreg:$0x1];
	p0 =	sne.s32 s2, $0x0  }
0x68: {  	s3 =	rddreg [dreg:$0x2];
	[bflag:$0x3] =	sbarrier.arrive $0xFFFF;
	s2 =	simm.s32 @!p0 $0x1C03  }
0x69: {  	[timem:s3], [sflag:s2] =	dma.local @!p0 [hbm:s0], s1  }
0x6a: {  	s0 =	simm.s32 @!p0 $0x3  }
0x6b: {  	_ =	swait.ge @!p0 [sflag:s0], s1  }
0x6c: {  	s1 =	ssub.s32 @!p0 $0x0, s1;
	[sflag:s0] =	ssyncset.done @!p0 $0x0  }
0x6d: {  	[sflag:s0] =	ssyncadd.s32 @!p0 s1  }
0x6e: {  	[bflag:$0x3] =	sbarrier.arrive $0xFFFF  }
0x6f: {  	_ =	shalt  }

</sc_bundles>
